<compile_context>
chip_gen: v7x
topology: tpu7x:2x2x1
jax: 0.10.2.dev20260603
libtpu: 0.0.44.dev20260713+nightly
codegen_flags: <defaults>
</compile_context>

<pallas_src>
import functools

import jax
import jax.numpy as jnp
from jax import lax
from jax.experimental import pallas as pl
from jax.experimental.pallas import tpu as pltpu
from jax.experimental.pallas import tpu_sc as plsc

H = 128
N_GRID = 10000
N_MESH = 10000
E = 320000
CH = 128
NCH = E // CH
NC, NS = 2, 16
NW = NC * NS
NB = 1000
EB = 2000


def _ln(h, g, b):
    mu = jnp.mean(h, axis=-1, keepdims=True)
    var = jnp.mean((h - mu) ** 2, axis=-1, keepdims=True)
    return (h - mu) * lax.rsqrt(var + 1e-5) * g + b


def _silu(x):
    return x * jax.nn.sigmoid(x)


def _dot(a, b):
    return jnp.dot(a, b, preferred_element_type=jnp.float32)


def _prep_body(g_ref, m_ref, w1g_ref, w1m_ref, b1_ref,
               sw1_ref, sb1_ref, sw2_ref, sb2_ref, sg_ref, sbt_ref,
               gp_ref, mp_ref, gn_ref):
    g = g_ref[...]
    m = m_ref[...]
    gp_ref[...] = _dot(g, w1g_ref[...]) + b1_ref[...]
    mp_ref[...] = _dot(m, w1m_ref[...])
    h = _silu(_dot(g, sw1_ref[...]) + sb1_ref[...])
    h2 = _dot(h, sw2_ref[...]) + sb2_ref[...]
    gn_ref[...] = g + _ln(h2, sg_ref[...], sbt_ref[...])


def _node_spec():
    return pl.BlockSpec((NB, H), lambda i: (i, 0))


def _full_spec(shape):
    return pl.BlockSpec(shape, lambda i: tuple(0 for _ in shape))


_prep_call = pl.pallas_call(
    _prep_body,
    grid=(N_GRID // NB,),
    in_specs=[_node_spec(), _node_spec(),
              _full_spec((H, H)), _full_spec((H, H)), _full_spec((1, H)),
              _full_spec((H, H)), _full_spec((1, H)), _full_spec((H, H)),
              _full_spec((1, H)), _full_spec((1, H)), _full_spec((1, H))],
    out_specs=[_node_spec(), _node_spec(), _node_spec()],
    out_shape=[jax.ShapeDtypeStruct((N_GRID, H), jnp.float32)] * 3,
)


_mesh = plsc.VectorSubcoreMesh(core_axis_name="c", subcore_axis_name="s",
                               num_cores=NC, num_subcores=NS)

_K_GATHER = -(-NCH // NW)


@functools.partial(
    pl.kernel,
    out_type=(jax.ShapeDtypeStruct((E, H), jnp.float32),
              jax.ShapeDtypeStruct((E, H), jnp.float32)),
    mesh=_mesh,
    scratch_types=[pltpu.VMEM((CH,), jnp.int32), pltpu.VMEM((CH,), jnp.int32),
                   pltpu.VMEM((CH, H), jnp.float32),
                   pltpu.VMEM((CH, H), jnp.float32),
                   pltpu.SemaphoreType.DMA, pltpu.SemaphoreType.DMA])
def _sc_gather(gp_hbm, mp_hbm, src_hbm, dst_hbm, osrc_hbm, odst_hbm,
               idx_a, idx_b, buf_a, buf_b, sem_a, sem_b):
    wid = lax.axis_index("s") * NC + lax.axis_index("c")

    def body(k, carry):
        c = wid + NW * k

        @pl.when(c < NCH)
        def _():
            pltpu.sync_copy(src_hbm.at[pl.ds(c * CH, CH)], idx_a)
            pltpu.sync_copy(dst_hbm.at[pl.ds(c * CH, CH)], idx_b)
            cp_a = pltpu.async_copy(gp_hbm.at[idx_a], buf_a, sem_a)
            cp_b = pltpu.async_copy(mp_hbm.at[idx_b], buf_b, sem_b)
            cp_a.wait()
            cp_b.wait()
            pltpu.sync_copy(buf_a, osrc_hbm.at[pl.ds(c * CH, CH)])
            pltpu.sync_copy(buf_b, odst_hbm.at[pl.ds(c * CH, CH)])

        return carry

    lax.fori_loop(0, _K_GATHER, body, 0)


def _edge_body(x_ref, a_ref, b_ref, w1_ref, w2_ref, b2_ref, g_ref, bt_ref,
               o_ref):
    x = _dot(x_ref[...], w1_ref[...]) + a_ref[...] + b_ref[...]
    h2 = _dot(_silu(x), w2_ref[...]) + b2_ref[...]
    o_ref[...] = _ln(h2, g_ref[...], bt_ref[...])


def _edge_spec():
    return pl.BlockSpec((EB, H), lambda i: (i, 0))


_edge_call = pl.pallas_call(
    _edge_body,
    grid=(E // EB,),
    in_specs=[_edge_spec(), _edge_spec(), _edge_spec(),
              _full_spec((H, H)), _full_spec((H, H)), _full_spec((1, H)),
              _full_spec((1, H)), _full_spec((1, H))],
    out_specs=[_edge_spec()],
    out_shape=[jax.ShapeDtypeStruct((E, H), jnp.float32)],
)


_HALF = NCH // NC
_K_SCAT = -(-_HALF // NS)
_NM_PAD = 10240
_ROWS = _NM_PAD // NS


@functools.partial(
    pl.kernel,
    out_type=jax.ShapeDtypeStruct((NC * _NM_PAD, H), jnp.float32),
    mesh=_mesh,
    scratch_types=[pltpu.VMEM_SHARED((_NM_PAD, H), jnp.float32),
                   pltpu.VMEM((CH,), jnp.int32),
                   pltpu.VMEM((CH, H), jnp.float32)])
def _sc_scatter(ef_hbm, dst_hbm, zero_hbm, out_hbm, acc_shared, idx_v, buf):
    cid = lax.axis_index("c")
    sid = lax.axis_index("s")
    pltpu.sync_copy(zero_hbm.at[pl.ds(sid * _ROWS, _ROWS)],
                    acc_shared.at[pl.ds(sid * _ROWS, _ROWS)])
    plsc.subcore_barrier()

    def body(k, carry):
        j = sid + NS * k
        c = cid * _HALF + j

        @pl.when(j < _HALF)
        def _():
            pltpu.sync_copy(dst_hbm.at[pl.ds(c * CH, CH)], idx_v)
            pltpu.sync_copy(ef_hbm.at[pl.ds(c * CH, CH)], buf)
            pltpu.sync_copy(buf, acc_shared.at[idx_v], add=True)

        return carry

    lax.fori_loop(0, _K_SCAT, body, 0)
    plsc.subcore_barrier()
    pltpu.sync_copy(acc_shared.at[pl.ds(sid * _ROWS, _ROWS)],
                    out_hbm.at[pl.ds(cid * _NM_PAD + sid * _ROWS, _ROWS)])


def _mesh_body(p0_ref, p1_ref, m_ref, w1a_ref, w1b_ref, b1_ref,
               w2_ref, b2_ref, g_ref, bt_ref, o_ref):
    m = m_ref[...]
    agg = p0_ref[...] + p1_ref[...]
    x = _dot(agg, w1a_ref[...]) + _dot(m, w1b_ref[...]) + b1_ref[...]
    h2 = _dot(_silu(x), w2_ref[...]) + b2_ref[...]
    o_ref[...] = m + _ln(h2, g_ref[...], bt_ref[...])


_mesh_call = pl.pallas_call(
    _mesh_body,
    grid=(N_MESH // NB,),
    in_specs=[_node_spec(), _node_spec(), _node_spec(),
              _full_spec((H, H)), _full_spec((H, H)), _full_spec((1, H)),
              _full_spec((H, H)), _full_spec((1, H)), _full_spec((1, H)),
              _full_spec((1, H))],
    out_specs=[_node_spec()],
    out_shape=[jax.ShapeDtypeStruct((N_MESH, H), jnp.float32)],
)


def kernel(g2m_efeat, grid_feat, mesh_feat, edge_index,
           e_W1, e_b1, e_W2, e_b2, e_g, e_beta,
           s_W1, s_b1, s_W2, s_b2, s_g, s_beta,
           d_W1, d_b1, d_W2, d_b2, d_g, d_beta):
    src = edge_index[0]
    dst = edge_index[1]
    r = lambda v: v.reshape(1, H)

    gp, mp, grid_new = _prep_call(
        grid_feat, mesh_feat, e_W1[H:2 * H], e_W1[2 * H:], r(e_b1),
        s_W1, r(s_b1), s_W2, r(s_b2), r(s_g), r(s_beta))

    gsrc, gdst = _sc_gather(gp, mp, src, dst)

    (efeat,) = _edge_call(g2m_efeat, gsrc, gdst, e_W1[:H], e_W2, r(e_b2),
                          r(e_g), r(e_beta))

    parts = _sc_scatter(efeat, dst, jnp.zeros((_NM_PAD, H), jnp.float32))

    (mesh_new,) = _mesh_call(
        parts[:N_MESH], parts[_NM_PAD:_NM_PAD + N_MESH], mesh_feat,
        d_W1[:H], d_W1[H:], r(d_b1), d_W2, r(d_b2), r(d_g), r(d_beta))

    return (grid_new, mesh_new)

# --- scband reference (transcript-rebuilt; emitter-appended) ---
"""Pipeline reference for scband-encoder-76390288327304 (READ-ONLY COPY).

The authoritative reference and input builder live on the scoring server;
editing this copy changes nothing except your own understanding.
"""

import jax, jax.numpy as jnp
import numpy as np

H = 128
N_GRID = 10000
N_MESH = 10000
E = 320000


def _mlp(x, W1, b1, W2, b2, g, beta):
    h = jax.nn.silu(x @ W1 + b1)
    h = h @ W2 + b2
    mu = jnp.mean(h, axis=-1, keepdims=True)
    var = jnp.mean((h - mu) ** 2, axis=-1, keepdims=True)
    return (h - mu) / jnp.sqrt(var + 1e-5) * g + beta


def _mk_mlp(key, in_dim, prefix):
    k1, k2 = jax.random.split(key)
    return {
        prefix + "_W1": jax.random.normal(k1, (in_dim, H), jnp.float32) * 0.02,
        prefix + "_b1": jnp.zeros((H,), jnp.float32),
        prefix + "_W2": jax.random.normal(k2, (H, H), jnp.float32) * 0.02,
        prefix + "_b2": jnp.zeros((H,), jnp.float32),
        prefix + "_g": jnp.ones((H,), jnp.float32),
        prefix + "_beta": jnp.zeros((H,), jnp.float32),
    }


def setup_inputs(seed: int = 0):
    key = jax.random.key(seed)
    ks = jax.random.split(key, 8)
    inp = {
        "g2m_efeat": jax.random.normal(ks[0], (E, H), jnp.float32),
        "grid_feat": jax.random.normal(ks[1], (N_GRID, H), jnp.float32),
        "mesh_feat": jax.random.normal(ks[2], (N_MESH, H), jnp.float32),
        "edge_index": jax.random.randint(ks[3], (2, E), 0, N_GRID, dtype=jnp.int32),
    }
    inp.update(_mk_mlp(ks[4], 3 * H, "e"))
    inp.update(_mk_mlp(ks[5], H, "s"))
    inp.update(_mk_mlp(ks[6], 2 * H, "d"))
    return inp


def reference(g2m_efeat, grid_feat, mesh_feat, edge_index,
              e_W1, e_b1, e_W2, e_b2, e_g, e_beta,
              s_W1, s_b1, s_W2, s_b2, s_g, s_beta,
              d_W1, d_b1, d_W2, d_b2, d_g, d_beta):
    src = edge_index[0]
    dst = edge_index[1]
    # EdgeMLP: concat edge, src-node (grid), dst-node (mesh) features
    cat_feat = jnp.concatenate([g2m_efeat, grid_feat[src], mesh_feat[dst]], axis=-1)
    efeat = _mlp(cat_feat, e_W1, e_b1, e_W2, e_b2, e_g, e_beta)
    # aggregate edge features to dst (mesh) nodes via scatter-add (agg='sum')
    aggregated = jnp.zeros((N_MESH, H), dtype=efeat.dtype).at[dst].add(efeat)
    agg_feat = jnp.concatenate([aggregated, mesh_feat], axis=-1)
    mesh_feat_new = mesh_feat + _mlp(agg_feat, d_W1, d_b1, d_W2, d_b2, d_g, d_beta)
    grid_feat_new = grid_feat + _mlp(grid_feat, s_W1, s_b1, s_W2, s_b2, s_g, s_beta)
    return (grid_feat_new, mesh_feat_new)

if __name__ == "__main__":
    import jax
    _d = setup_inputs()
    print(jax.jit(kernel)(*tuple(_d.values())))

</pallas_src>

<mosaic_0001>
#map = affine_map<(d0, d1) -> (0, 0)>
#map1 = affine_map<(d0, d1) -> (0)>
module attributes {stable_mosaic.version = 14 : i64} {
  func.func @_sc_scatter(%arg0: i32, %arg1: i32, %arg2: memref<320000x128xf32, #tpu.memory_space<hbm>>, %arg3: memref<320000xi32, #tpu.memory_space<hbm>>, %arg4: memref<10240x128xf32, #tpu.memory_space<hbm>>, %arg5: memref<20480x128xf32, #tpu.memory_space<hbm>>, %arg6: memref<10240x128xf32, #tpu.memory_space<vmem_shared>>, %arg7: memref<128xi32, #tpu.memory_space<vmem>>, %arg8: memref<128x128xf32, #tpu.memory_space<vmem>>) attributes {dimension_semantics = [#tpu.dimension_semantics<core_parallel>, #tpu.dimension_semantics<subcore_parallel>], iteration_bounds = array<i64: 2, 16>, scalar_prefetch = 0 : i64, scratch_operands = 3 : i64, tpu.core_type = #tpu.core_type<sc_vector_subcore>, window_params = [{transform_indices = #map}, {transform_indices = #map1}, {transform_indices = #map}, {transform_indices = #map}]} {
    %mul3A = arith.constant 640 : i32
    %mul3A_0 = arith.muli %arg1, %mul3A : i32
    %mul3A_1 = arith.constant 640 : i32
    %mul3A_2 = arith.muli %arg1, %mul3A_1 : i32
    "tpu.region"() ({
      %run_scoped3A = tpu.sem_alloc : memref<!tpu.dma_semaphore, #tpu.memory_space<semaphore_mem>>
      %dma_start3A = arith.constant 0 : i32
      %dma_start3A_15 = tpu.memref_slice %arg6[%mul3A_2, %dma_start3A] : memref<10240x128xf32, #tpu.memory_space<vmem_shared>> -> memref<640x128xf32, #tpu.memory_space<vmem_shared>>
      %dma_start3A_16 = arith.constant 0 : i32
      %dma_start3A_17 = tpu.memref_slice %arg4[%mul3A_0, %dma_start3A_16] : memref<10240x128xf32, #tpu.memory_space<hbm>> -> memref<640x128xf32, #tpu.memory_space<hbm>>
      tpu.enqueue_dma source(%dma_start3A_17 : memref<640x128xf32, #tpu.memory_space<hbm>>) target(%dma_start3A_15 : memref<640x128xf32, #tpu.memory_space<vmem_shared>>) target_semaphore(%run_scoped3A : memref<!tpu.dma_semaphore, #tpu.memory_space<semaphore_mem>>)
      %dma_wait3A = arith.constant 0 : i32
      %dma_wait3A_18 = tpu.memref_slice %arg6[%mul3A_2, %dma_wait3A] : memref<10240x128xf32, #tpu.memory_space<vmem_shared>> -> memref<640x128xf32, #tpu.memory_space<vmem_shared>>
      %dma_wait3A_19 = arith.constant 0 : i32
      %dma_wait3A_20 = tpu.memref_slice %arg4[%mul3A_0, %dma_wait3A_19] : memref<10240x128xf32, #tpu.memory_space<hbm>> -> memref<640x128xf32, #tpu.memory_space<hbm>>
      tpu.wait_dma2 semaphore(%run_scoped3A : memref<!tpu.dma_semaphore, #tpu.memory_space<semaphore_mem>>) src(%dma_wait3A_20 : memref<640x128xf32, #tpu.memory_space<hbm>>) dst(%dma_wait3A_18 : memref<640x128xf32, #tpu.memory_space<vmem_shared>>)
      tpu.yield
    }) : () -> ()
    %barrier3A = arith.constant 0 : index
    tpu.barrier barrier_id(%barrier3A)
    %scan3A = arith.constant 0 : i32
    %scan3A_3 = arith.constant 0 : i32
    %scan3A_4 = arith.constant 79 : i32
    %scan3A_5 = arith.addi %scan3A_3, %scan3A_4 : i32
    %scan3A_6 = arith.constant 1 : i32
    scf.for %scan3A_15 = %scan3A_3 to %scan3A_5 step %scan3A_6  : i32 {
      %mul3A_16 = arith.constant 16 : i32
      %mul3A_17 = arith.muli %mul3A_16, %scan3A_15 : i32
      %add3A_18 = arith.addi %arg1, %mul3A_17 : i32
      %mul3A_19 = arith.constant 1250 : i32
      %mul3A_20 = arith.muli %arg0, %mul3A_19 : i32
      %add3A_21 = arith.addi %mul3A_20, %add3A_18 : i32
      %lt3A = arith.constant 1250 : i32
      %lt3A_22 = arith.cmpi slt, %add3A_18, %lt3A : i32
      %convert_element_type3A = arith.extui %lt3A_22 : i1 to i32
      %cond3A = arith.constant 0 : i32
      %cond3A_23 = arith.cmpi ne, %convert_element_type3A, %cond3A : i32
      scf.if %cond3A_23 {
        %mul3A_24 = arith.constant 128 : i32
        %mul3A_25 = arith.muli %add3A_21, %mul3A_24 : i32
        "tpu.region"() ({
          %run_scoped3A = tpu.sem_alloc : memref<!tpu.dma_semaphore, #tpu.memory_space<semaphore_mem>>
          %dma_start3A = tpu.memref_slice %arg3[%mul3A_25] : memref<320000xi32, #tpu.memory_space<hbm>> -> memref<128xi32, #tpu.memory_space<hbm>>
          %dma_start3A_28 = tpu.memref_slice %arg3[%mul3A_25] : memref<320000xi32, #tpu.memory_space<hbm>> -> memref<128xi32, #tpu.memory_space<hbm>>
          tpu.enqueue_dma source(%dma_start3A_28 : memref<128xi32, #tpu.memory_space<hbm>>) target(%arg7 : memref<128xi32, #tpu.memory_space<vmem>>) target_semaphore(%run_scoped3A : memref<!tpu.dma_semaphore, #tpu.memory_space<semaphore_mem>>)
          %dma_wait3A = tpu.memref_slice %arg3[%mul3A_25] : memref<320000xi32, #tpu.memory_space<hbm>> -> memref<128xi32, #tpu.memory_space<hbm>>
          %dma_wait3A_29 = tpu.memref_slice %arg3[%mul3A_25] : memref<320000xi32, #tpu.memory_space<hbm>> -> memref<128xi32, #tpu.memory_space<hbm>>
          tpu.wait_dma2 semaphore(%run_scoped3A : memref<!tpu.dma_semaphore, #tpu.memory_space<semaphore_mem>>) src(%dma_wait3A_29 : memref<128xi32, #tpu.memory_space<hbm>>) dst(%arg7 : memref<128xi32, #tpu.memory_space<vmem>>)
          tpu.yield
        }) : () -> ()
        %mul3A_26 = arith.constant 128 : i32
        %mul3A_27 = arith.muli %add3A_21, %mul3A_26 : i32
        "tpu.region"() ({
          %run_scoped3A = tpu.sem_alloc : memref<!tpu.dma_semaphore, #tpu.memory_space<semaphore_mem>>
          %dma_start3A = arith.constant 0 : i32
          %dma_start3A_28 = tpu.memref_slice %arg2[%mul3A_27, %dma_start3A] : memref<320000x128xf32, #tpu.memory_space<hbm>> -> memref<128x128xf32, #tpu.memory_space<hbm>>
          %dma_start3A_29 = arith.constant 0 : i32
          %dma_start3A_30 = tpu.memref_slice %arg2[%mul3A_27, %dma_start3A_29] : memref<320000x128xf32, #tpu.memory_space<hbm>> -> memref<128x128xf32, #tpu.memory_space<hbm>>
          tpu.enqueue_dma source(%dma_start3A_30 : memref<128x128xf32, #tpu.memory_space<hbm>>) target(%arg8 : memref<128x128xf32, #tpu.memory_space<vmem>>) target_semaphore(%run_scoped3A : memref<!tpu.dma_semaphore, #tpu.memory_space<semaphore_mem>>)
          %dma_wait3A = arith.constant 0 : i32
          %dma_wait3A_31 = tpu.memref_slice %arg2[%mul3A_27, %dma_wait3A] : memref<320000x128xf32, #tpu.memory_space<hbm>> -> memref<128x128xf32, #tpu.memory_space<hbm>>
          %dma_wait3A_32 = arith.constant 0 : i32
          %dma_wait3A_33 = tpu.memref_slice %arg2[%mul3A_27, %dma_wait3A_32] : memref<320000x128xf32, #tpu.memory_space<hbm>> -> memref<128x128xf32, #tpu.memory_space<hbm>>
          tpu.wait_dma2 semaphore(%run_scoped3A : memref<!tpu.dma_semaphore, #tpu.memory_space<semaphore_mem>>) src(%dma_wait3A_33 : memref<128x128xf32, #tpu.memory_space<hbm>>) dst(%arg8 : memref<128x128xf32, #tpu.memory_space<vmem>>)
          tpu.yield
        }) : () -> ()
        "tpu.region"() ({
          %run_scoped3A = tpu.sem_alloc : memref<!tpu.dma_semaphore, #tpu.memory_space<semaphore_mem>>
          %dma_start3A = arith.constant 0 : i32
          %dma_start3A_28 = arith.constant 0 : i32
          %dma_start3A_29 = tpu.memref_slice %arg6[%dma_start3A, %dma_start3A_28] : memref<10240x128xf32, #tpu.memory_space<vmem_shared>> -> memref<10240x128xf32, #tpu.memory_space<vmem_shared>>
          tpu.enqueue_indirect_dma source(%arg8 : memref<128x128xf32, #tpu.memory_space<vmem>>) target(%dma_start3A_29 : memref<10240x128xf32, #tpu.memory_space<vmem_shared>>) offsets(%arg7 : memref<128xi32, #tpu.memory_space<vmem>>) semaphore(%run_scoped3A : memref<!tpu.dma_semaphore, #tpu.memory_space<semaphore_mem>>) {add = true}
          %dma_wait3A = arith.constant 0 : i32
          %dma_wait3A_30 = arith.constant 0 : i32
          %dma_wait3A_31 = tpu.memref_slice %arg6[%dma_wait3A, %dma_wait3A_30] : memref<10240x128xf32, #tpu.memory_space<vmem_shared>> -> memref<10240x128xf32, #tpu.memory_space<vmem_shared>>
          tpu.wait_indirect_dma semaphore(%run_scoped3A : memref<!tpu.dma_semaphore, #tpu.memory_space<semaphore_mem>>) src(%arg8 : memref<128x128xf32, #tpu.memory_space<vmem>>) dst(%dma_wait3A_31 : memref<10240x128xf32, #tpu.memory_space<vmem_shared>>)
          tpu.yield
        }) : () -> ()
      } else {
      }
    }
    %scan3A_7 = arith.constant 79 : i32
    %barrier3A_8 = arith.constant 0 : index
    tpu.barrier barrier_id(%barrier3A_8)
    %mul3A_9 = arith.constant 640 : i32
    %mul3A_10 = arith.muli %arg1, %mul3A_9 : i32
    %mul3A_11 = arith.constant 10240 : i32
    %mul3A_12 = arith.muli %arg0, %mul3A_11 : i32
    %mul3A_13 = arith.constant 640 : i32
    %mul3A_14 = arith.muli %arg1, %mul3A_13 : i32
    %add3A = arith.addi %mul3A_12, %mul3A_14 : i32
    "tpu.region"() ({
      %run_scoped3A = tpu.sem_alloc : memref<!tpu.dma_semaphore, #tpu.memory_space<semaphore_mem>>
      %dma_start3A = arith.constant 0 : i32
      %dma_start3A_15 = tpu.memref_slice %arg5[%add3A, %dma_start3A] : memref<20480x128xf32, #tpu.memory_space<hbm>> -> memref<640x128xf32, #tpu.memory_space<hbm>>
      %dma_start3A_16 = arith.constant 0 : i32
      %dma_start3A_17 = tpu.memref_slice %arg6[%mul3A_10, %dma_start3A_16] : memref<10240x128xf32, #tpu.memory_space<vmem_shared>> -> memref<640x128xf32, #tpu.memory_space<vmem_shared>>
      tpu.enqueue_dma source(%dma_start3A_17 : memref<640x128xf32, #tpu.memory_space<vmem_shared>>) target(%dma_start3A_15 : memref<640x128xf32, #tpu.memory_space<hbm>>) target_semaphore(%run_scoped3A : memref<!tpu.dma_semaphore, #tpu.memory_space<semaphore_mem>>)
      %dma_wait3A = arith.constant 0 : i32
      %dma_wait3A_18 = tpu.memref_slice %arg5[%add3A, %dma_wait3A] : memref<20480x128xf32, #tpu.memory_space<hbm>> -> memref<640x128xf32, #tpu.memory_space<hbm>>
      %dma_wait3A_19 = arith.constant 0 : i32
      %dma_wait3A_20 = tpu.memref_slice %arg6[%mul3A_10, %dma_wait3A_19] : memref<10240x128xf32, #tpu.memory_space<vmem_shared>> -> memref<640x128xf32, #tpu.memory_space<vmem_shared>>
      tpu.wait_dma2 semaphore(%run_scoped3A : memref<!tpu.dma_semaphore, #tpu.memory_space<semaphore_mem>>) src(%dma_wait3A_20 : memref<640x128xf32, #tpu.memory_space<vmem_shared>>) dst(%dma_wait3A_18 : memref<640x128xf32, #tpu.memory_space<hbm>>)
      tpu.yield
    }) : () -> ()
    return
  }
}

#map = affine_map<(d0, d1) -> (0, 0)>
#map1 = affine_map<(d0, d1) -> (0)>
module attributes {stable_mosaic.version = 14 : i64} {
  func.func @_sc_gather(%arg0: i32, %arg1: i32, %arg2: memref<10000x128xf32, #tpu.memory_space<hbm>>, %arg3: memref<10000x128xf32, #tpu.memory_space<hbm>>, %arg4: memref<320000xi32, #tpu.memory_space<hbm>>, %arg5: memref<320000xi32, #tpu.memory_space<hbm>>, %arg6: memref<320000x128xf32, #tpu.memory_space<hbm>>, %arg7: memref<320000x128xf32, #tpu.memory_space<hbm>>, %arg8: memref<128xi32, #tpu.memory_space<vmem>>, %arg9: memref<128xi32, #tpu.memory_space<vmem>>, %arg10: memref<128x128xf32, #tpu.memory_space<vmem>>, %arg11: memref<128x128xf32, #tpu.memory_space<vmem>>, %arg12: memref<!tpu.dma_semaphore, #tpu.memory_space<semaphore_mem>>, %arg13: memref<!tpu.dma_semaphore, #tpu.memory_space<semaphore_mem>>) attributes {dimension_semantics = [#tpu.dimension_semantics<core_parallel>, #tpu.dimension_semantics<subcore_parallel>], iteration_bounds = array<i64: 2, 16>, scalar_prefetch = 0 : i64, scratch_operands = 6 : i64, tpu.core_type = #tpu.core_type<sc_vector_subcore>, window_params = [{transform_indices = #map}, {transform_indices = #map}, {transform_indices = #map1}, {transform_indices = #map1}, {transform_indices = #map}, {transform_indices = #map}]} {
    %mul3A = arith.constant 2 : i32
    %mul3A_0 = arith.muli %arg1, %mul3A : i32
    %add3A = arith.addi %mul3A_0, %arg0 : i32
    %scan3A = arith.constant 0 : i32
    %scan3A_1 = arith.constant 0 : i32
    %scan3A_2 = arith.constant 79 : i32
    %scan3A_3 = arith.addi %scan3A_1, %scan3A_2 : i32
    %scan3A_4 = arith.constant 1 : i32
    scf.for %scan3A_6 = %scan3A_1 to %scan3A_3 step %scan3A_4  : i32 {
      %mul3A_7 = arith.constant 32 : i32
      %mul3A_8 = arith.muli %mul3A_7, %scan3A_6 : i32
      %add3A_9 = arith.addi %add3A, %mul3A_8 : i32
      %lt3A = arith.constant 2500 : i32
      %lt3A_10 = arith.cmpi slt, %add3A_9, %lt3A : i32
      %convert_element_type3A = arith.extui %lt3A_10 : i1 to i32
      %cond3A = arith.constant 0 : i32
      %cond3A_11 = arith.cmpi ne, %convert_element_type3A, %cond3A : i32
      scf.if %cond3A_11 {
        %mul3A_12 = arith.constant 128 : i32
        %mul3A_13 = arith.muli %add3A_9, %mul3A_12 : i32
        "tpu.region"() ({
          %run_scoped3A = tpu.sem_alloc : memref<!tpu.dma_semaphore, #tpu.memory_space<semaphore_mem>>
          %dma_start3A_30 = tpu.memref_slice %arg4[%mul3A_13] : memref<320000xi32, #tpu.memory_space<hbm>> -> memref<128xi32, #tpu.memory_space<hbm>>
          %dma_start3A_31 = tpu.memref_slice %arg4[%mul3A_13] : memref<320000xi32, #tpu.memory_space<hbm>> -> memref<128xi32, #tpu.memory_space<hbm>>
          tpu.enqueue_dma source(%dma_start3A_31 : memref<128xi32, #tpu.memory_space<hbm>>) target(%arg8 : memref<128xi32, #tpu.memory_space<vmem>>) target_semaphore(%run_scoped3A : memref<!tpu.dma_semaphore, #tpu.memory_space<semaphore_mem>>)
          %dma_wait3A_32 = tpu.memref_slice %arg4[%mul3A_13] : memref<320000xi32, #tpu.memory_space<hbm>> -> memref<128xi32, #tpu.memory_space<hbm>>
          %dma_wait3A_33 = tpu.memref_slice %arg4[%mul3A_13] : memref<320000xi32, #tpu.memory_space<hbm>> -> memref<128xi32, #tpu.memory_space<hbm>>
          tpu.wait_dma2 semaphore(%run_scoped3A : memref<!tpu.dma_semaphore, #tpu.memory_space<semaphore_mem>>) src(%dma_wait3A_33 : memref<128xi32, #tpu.memory_space<hbm>>) dst(%arg8 : memref<128xi32, #tpu.memory_space<vmem>>)
          tpu.yield
        }) : () -> ()
        %mul3A_14 = arith.constant 128 : i32
        %mul3A_15 = arith.muli %add3A_9, %mul3A_14 : i32
        "tpu.region"() ({
          %run_scoped3A = tpu.sem_alloc : memref<!tpu.dma_semaphore, #tpu.memory_space<semaphore_mem>>
          %dma_start3A_30 = tpu.memref_slice %arg5[%mul3A_15] : memref<320000xi32, #tpu.memory_space<hbm>> -> memref<128xi32, #tpu.memory_space<hbm>>
          %dma_start3A_31 = tpu.memref_slice %arg5[%mul3A_15] : memref<320000xi32, #tpu.memory_space<hbm>> -> memref<128xi32, #tpu.memory_space<hbm>>
          tpu.enqueue_dma source(%dma_start3A_31 : memref<128xi32, #tpu.memory_space<hbm>>) target(%arg9 : memref<128xi32, #tpu.memory_space<vmem>>) target_semaphore(%run_scoped3A : memref<!tpu.dma_semaphore, #tpu.memory_space<semaphore_mem>>)
          %dma_wait3A_32 = tpu.memref_slice %arg5[%mul3A_15] : memref<320000xi32, #tpu.memory_space<hbm>> -> memref<128xi32, #tpu.memory_space<hbm>>
          %dma_wait3A_33 = tpu.memref_slice %arg5[%mul3A_15] : memref<320000xi32, #tpu.memory_space<hbm>> -> memref<128xi32, #tpu.memory_space<hbm>>
          tpu.wait_dma2 semaphore(%run_scoped3A : memref<!tpu.dma_semaphore, #tpu.memory_space<semaphore_mem>>) src(%dma_wait3A_33 : memref<128xi32, #tpu.memory_space<hbm>>) dst(%arg9 : memref<128xi32, #tpu.memory_space<vmem>>)
          tpu.yield
        }) : () -> ()
        %dma_start3A = arith.constant 0 : i32
        %dma_start3A_16 = arith.constant 0 : i32
        %dma_start3A_17 = tpu.memref_slice %arg2[%dma_start3A, %dma_start3A_16] : memref<10000x128xf32, #tpu.memory_space<hbm>> -> memref<10000x128xf32, #tpu.memory_space<hbm>>
        tpu.enqueue_indirect_dma source(%dma_start3A_17 : memref<10000x128xf32, #tpu.memory_space<hbm>>) target(%arg10 : memref<128x128xf32, #tpu.memory_space<vmem>>) offsets(%arg8 : memref<128xi32, #tpu.memory_space<vmem>>) semaphore(%arg12 : memref<!tpu.dma_semaphore, #tpu.memory_space<semaphore_mem>>)
        %dma_start3A_18 = arith.constant 0 : i32
        %dma_start3A_19 = arith.constant 0 : i32
        %dma_start3A_20 = tpu.memref_slice %arg3[%dma_start3A_18, %dma_start3A_19] : memref<10000x128xf32, #tpu.memory_space<hbm>> -> memref<10000x128xf32, #tpu.memory_space<hbm>>
        tpu.enqueue_indirect_dma source(%dma_start3A_20 : memref<10000x128xf32, #tpu.memory_space<hbm>>) target(%arg11 : memref<128x128xf32, #tpu.memory_space<vmem>>) offsets(%arg9 : memref<128xi32, #tpu.memory_space<vmem>>) semaphore(%arg13 : memref<!tpu.dma_semaphore, #tpu.memory_space<semaphore_mem>>)
        %dma_wait3A = arith.constant 0 : i32
        %dma_wait3A_21 = arith.constant 0 : i32
        %dma_wait3A_22 = tpu.memref_slice %arg2[%dma_wait3A, %dma_wait3A_21] : memref<10000x128xf32, #tpu.memory_space<hbm>> -> memref<10000x128xf32, #tpu.memory_space<hbm>>
        tpu.wait_indirect_dma semaphore(%arg12 : memref<!tpu.dma_semaphore, #tpu.memory_space<semaphore_mem>>) src(%dma_wait3A_22 : memref<10000x128xf32, #tpu.memory_space<hbm>>) dst(%arg10 : memref<128x128xf32, #tpu.memory_space<vmem>>)
        %dma_wait3A_23 = arith.constant 0 : i32
        %dma_wait3A_24 = arith.constant 0 : i32
        %dma_wait3A_25 = tpu.memref_slice %arg3[%dma_wait3A_23, %dma_wait3A_24] : memref<10000x128xf32, #tpu.memory_space<hbm>> -> memref<10000x128xf32, #tpu.memory_space<hbm>>
        tpu.wait_indirect_dma semaphore(%arg13 : memref<!tpu.dma_semaphore, #tpu.memory_space<semaphore_mem>>) src(%dma_wait3A_25 : memref<10000x128xf32, #tpu.memory_space<hbm>>) dst(%arg11 : memref<128x128xf32, #tpu.memory_space<vmem>>)
        %mul3A_26 = arith.constant 128 : i32
        %mul3A_27 = arith.muli %add3A_9, %mul3A_26 : i32
        "tpu.region"() ({
          %run_scoped3A = tpu.sem_alloc : memref<!tpu.dma_semaphore, #tpu.memory_space<semaphore_mem>>
          %dma_start3A_30 = arith.constant 0 : i32
          %dma_start3A_31 = tpu.memref_slice %arg6[%mul3A_27, %dma_start3A_30] : memref<320000x128xf32, #tpu.memory_space<hbm>> -> memref<128x128xf32, #tpu.memory_space<hbm>>
          %dma_start3A_32 = arith.constant 0 : i32
          %dma_start3A_33 = tpu.memref_slice %arg6[%mul3A_27, %dma_start3A_32] : memref<320000x128xf32, #tpu.memory_space<hbm>> -> memref<128x128xf32, #tpu.memory_space<hbm>>
          tpu.enqueue_dma source(%arg10 : memref<128x128xf32, #tpu.memory_space<vmem>>) target(%dma_start3A_33 : memref<128x128xf32, #tpu.memory_space<hbm>>) target_semaphore(%run_scoped3A : memref<!tpu.dma_semaphore, #tpu.memory_space<semaphore_mem>>)
          %dma_wait3A_34 = arith.constant 0 : i32
          %dma_wait3A_35 = tpu.memref_slice %arg6[%mul3A_27, %dma_wait3A_34] : memref<320000x128xf32, #tpu.memory_space<hbm>> -> memref<128x128xf32, #tpu.memory_space<hbm>>
          %dma_wait3A_36 = arith.constant 0 : i32
          %dma_wait3A_37 = tpu.memref_slice %arg6[%mul3A_27, %dma_wait3A_36] : memref<320000x128xf32, #tpu.memory_space<hbm>> -> memref<128x128xf32, #tpu.memory_space<hbm>>
          tpu.wait_dma2 semaphore(%run_scoped3A : memref<!tpu.dma_semaphore, #tpu.memory_space<semaphore_mem>>) src(%arg10 : memref<128x128xf32, #tpu.memory_space<vmem>>) dst(%dma_wait3A_37 : memref<128x128xf32, #tpu.memory_space<hbm>>)
          tpu.yield
        }) : () -> ()
        %mul3A_28 = arith.constant 128 : i32
        %mul3A_29 = arith.muli %add3A_9, %mul3A_28 : i32
        "tpu.region"() ({
          %run_scoped3A = tpu.sem_alloc : memref<!tpu.dma_semaphore, #tpu.memory_space<semaphore_mem>>
          %dma_start3A_30 = arith.constant 0 : i32
          %dma_start3A_31 = tpu.memref_slice %arg7[%mul3A_29, %dma_start3A_30] : memref<320000x128xf32, #tpu.memory_space<hbm>> -> memref<128x128xf32, #tpu.memory_space<hbm>>
          %dma_start3A_32 = arith.constant 0 : i32
          %dma_start3A_33 = tpu.memref_slice %arg7[%mul3A_29, %dma_start3A_32] : memref<320000x128xf32, #tpu.memory_space<hbm>> -> memref<128x128xf32, #tpu.memory_space<hbm>>
          tpu.enqueue_dma source(%arg11 : memref<128x128xf32, #tpu.memory_space<vmem>>) target(%dma_start3A_33 : memref<128x128xf32, #tpu.memory_space<hbm>>) target_semaphore(%run_scoped3A : memref<!tpu.dma_semaphore, #tpu.memory_space<semaphore_mem>>)
          %dma_wait3A_34 = arith.constant 0 : i32
          %dma_wait3A_35 = tpu.memref_slice %arg7[%mul3A_29, %dma_wait3A_34] : memref<320000x128xf32, #tpu.memory_space<hbm>> -> memref<128x128xf32, #tpu.memory_space<hbm>>
          %dma_wait3A_36 = arith.constant 0 : i32
          %dma_wait3A_37 = tpu.memref_slice %arg7[%mul3A_29, %dma_wait3A_36] : memref<320000x128xf32, #tpu.memory_space<hbm>> -> memref<128x128xf32, #tpu.memory_space<hbm>>
          tpu.wait_dma2 semaphore(%run_scoped3A : memref<!tpu.dma_semaphore, #tpu.memory_space<semaphore_mem>>) src(%arg11 : memref<128x128xf32, #tpu.memory_space<vmem>>) dst(%dma_wait3A_37 : memref<128x128xf32, #tpu.memory_space<hbm>>)
          tpu.yield
        }) : () -> ()
      } else {
      }
    }
    %scan3A_5 = arith.constant 79 : i32
    return
  }
}

module attributes {stable_mosaic.version = 14 : i64} {
  func.func @_prep_body(%arg0: i32, %arg1: memref<1000x128xf32, #tpu.memory_space<vmem>>, %arg2: memref<1000x128xf32, #tpu.memory_space<vmem>>, %arg3: memref<128x128xf32, #tpu.memory_space<vmem>>, %arg4: memref<128x128xf32, #tpu.memory_space<vmem>>, %arg5: memref<1x128xf32, #tpu.memory_space<vmem>>, %arg6: memref<128x128xf32, #tpu.memory_space<vmem>>, %arg7: memref<1x128xf32, #tpu.memory_space<vmem>>, %arg8: memref<128x128xf32, #tpu.memory_space<vmem>>, %arg9: memref<1x128xf32, #tpu.memory_space<vmem>>, %arg10: memref<1x128xf32, #tpu.memory_space<vmem>>, %arg11: memref<1x128xf32, #tpu.memory_space<vmem>>, %arg12: memref<1000x128xf32, #tpu.memory_space<vmem>>, %arg13: memref<1000x128xf32, #tpu.memory_space<vmem>>, %arg14: memref<1000x128xf32, #tpu.memory_space<vmem>>) attributes {dimension_semantics = [#tpu.dimension_semantics<arbitrary>], iteration_bounds = array<i64: 10>, scalar_prefetch = 0 : i64, scratch_operands = 0 : i64, tpu.core_type = #tpu.core_type<tc>, window_params = [{transform_indices = @transform_0, window_bounds = array<i64: 1000, 128>}, {transform_indices = @transform_1, window_bounds = array<i64: 1000, 128>}, {pipeline_mode = #tpu.pipeline_mode<synchronous>, transform_indices = @transform_2, window_bounds = array<i64: 128, 128>}, {pipeline_mode = #tpu.pipeline_mode<synchronous>, transform_indices = @transform_3, window_bounds = array<i64: 128, 128>}, {pipeline_mode = #tpu.pipeline_mode<synchronous>, transform_indices = @transform_4, window_bounds = array<i64: 1, 128>}, {pipeline_mode = #tpu.pipeline_mode<synchronous>, transform_indices = @transform_5, window_bounds = array<i64: 128, 128>}, {pipeline_mode = #tpu.pipeline_mode<synchronous>, transform_indices = @transform_6, window_bounds = array<i64: 1, 128>}, {pipeline_mode = #tpu.pipeline_mode<synchronous>, transform_indices = @transform_7, window_bounds = array<i64: 128, 128>}, {pipeline_mode = #tpu.pipeline_mode<synchronous>, transform_indices = @transform_8, window_bounds = array<i64: 1, 128>}, {pipeline_mode = #tpu.pipeline_mode<synchronous>, transform_indices = @transform_9, window_bounds = array<i64: 1, 128>}, {pipeline_mode = #tpu.pipeline_mode<synchronous>, transform_indices = @transform_10, window_bounds = array<i64: 1, 128>}, {transform_indices = @transform_11, window_bounds = array<i64: 1000, 128>}, {transform_indices = @transform_12, window_bounds = array<i64: 1000, 128>}, {transform_indices = @transform_13, window_bounds = array<i64: 1000, 128>}]} {
    %get3A = arith.constant 0 : index
    %get3A_0 = arith.constant 0 : index
    %get3A_1 = vector.load %arg1[%get3A, %get3A_0] : memref<1000x128xf32, #tpu.memory_space<vmem>>, vector<1000x128xf32>
    %get3A_2 = arith.constant 0 : index
    %get3A_3 = arith.constant 0 : index
    %get3A_4 = vector.load %arg2[%get3A_2, %get3A_3] : memref<1000x128xf32, #tpu.memory_space<vmem>>, vector<1000x128xf32>
    %get3A_5 = arith.constant 0 : index
    %get3A_6 = arith.constant 0 : index
    %get3A_7 = vector.load %arg3[%get3A_5, %get3A_6] : memref<128x128xf32, #tpu.memory_space<vmem>>, vector<128x128xf32>
    %dot_general3A = arith.constant dense<0.000000e+00> : vector<1000x128xf32>
    %dot_general3A_8 = tpu.matmul %get3A_1, %get3A_7, %dot_general3A {dimension_numbers = #tpu.dot_dimension_numbers<[1], [0], [0], [1], [0, 0, 1, 1], [], []>, transpose_lhs_hint = false} : vector<1000x128xf32>, vector<128x128xf32>, vector<1000x128xf32> -> vector<1000x128xf32>
    %get3A_9 = arith.constant 0 : index
    %get3A_10 = arith.constant 0 : index
    %get3A_11 = vector.load %arg5[%get3A_9, %get3A_10] : memref<1x128xf32, #tpu.memory_space<vmem>>, vector<1x128xf32>
    %add3A = vector.broadcast %get3A_11 : vector<1x128xf32> to vector<1000x128xf32>
    %add3A_12 = arith.addf %dot_general3A_8, %add3A : vector<1000x128xf32>
    %swap3A = arith.constant 0 : index
    %swap3A_13 = arith.constant 0 : index
    %swap3A_14 = vector.load %arg12[%swap3A, %swap3A_13] : memref<1000x128xf32, #tpu.memory_space<vmem>>, vector<1000x128xf32>
    tpu.vector_store %arg12[%swap3A, %swap3A_13], %add3A_12 {strides = array<i32>} : memref<1000x128xf32, #tpu.memory_space<vmem>>, vector<1000x128xf32>,
    %get3A_15 = arith.constant 0 : index
    %get3A_16 = arith.constant 0 : index
    %get3A_17 = vector.load %arg4[%get3A_15, %get3A_16] : memref<128x128xf32, #tpu.memory_space<vmem>>, vector<128x128xf32>
    %dot_general3A_18 = arith.constant dense<0.000000e+00> : vector<1000x128xf32>
    %dot_general3A_19 = tpu.matmul %get3A_4, %get3A_17, %dot_general3A_18 {dimension_numbers = #tpu.dot_dimension_numbers<[1], [0], [0], [1], [0, 0, 1, 1], [], []>, transpose_lhs_hint = false} : vector<1000x128xf32>, vector<128x128xf32>, vector<1000x128xf32> -> vector<1000x128xf32>
    %swap3A_20 = arith.constant 0 : index
    %swap3A_21 = arith.constant 0 : index
    %swap3A_22 = vector.load %arg13[%swap3A_20, %swap3A_21] : memref<1000x128xf32, #tpu.memory_space<vmem>>, vector<1000x128xf32>
    tpu.vector_store %arg13[%swap3A_20, %swap3A_21], %dot_general3A_19 {strides = array<i32>} : memref<1000x128xf32, #tpu.memory_space<vmem>>, vector<1000x128xf32>,
    %get3A_23 = arith.constant 0 : index
    %get3A_24 = arith.constant 0 : index
    %get3A_25 = vector.load %arg6[%get3A_23, %get3A_24] : memref<128x128xf32, #tpu.memory_space<vmem>>, vector<128x128xf32>
    %dot_general3A_26 = arith.constant dense<0.000000e+00> : vector<1000x128xf32>
    %dot_general3A_27 = tpu.matmul %get3A_1, %get3A_25, %dot_general3A_26 {dimension_numbers = #tpu.dot_dimension_numbers<[1], [0], [0], [1], [0, 0, 1, 1], [], []>, transpose_lhs_hint = false} : vector<1000x128xf32>, vector<128x128xf32>, vector<1000x128xf32> -> vector<1000x128xf32>
    %get3A_28 = arith.constant 0 : index
    %get3A_29 = arith.constant 0 : index
    %get3A_30 = vector.load %arg7[%get3A_28, %get3A_29] : memref<1x128xf32, #tpu.memory_space<vmem>>, vector<1x128xf32>
    %add3A_31 = vector.broadcast %get3A_30 : vector<1x128xf32> to vector<1000x128xf32>
    %add3A_32 = arith.addf %dot_general3A_27, %add3A_31 : vector<1000x128xf32>
    %logistic3A = arith.negf %add3A_32 : vector<1000x128xf32>
    %logistic3A_33 = math.exp %logistic3A : vector<1000x128xf32>
    %logistic3A_34 = arith.constant 1.000000e+00 : f32
    %logistic3A_35 = vector.broadcast %logistic3A_34 : f32 to vector<1000x128xf32>
    %logistic3A_36 = arith.addf %logistic3A_35, %logistic3A_33 : vector<1000x128xf32>
    %logistic3A_37 = arith.divf %logistic3A_35, %logistic3A_36 : vector<1000x128xf32>
    %mul3A = arith.mulf %add3A_32, %logistic3A_37 : vector<1000x128xf32>
    %get3A_38 = arith.constant 0 : index
    %get3A_39 = arith.constant 0 : index
    %get3A_40 = vector.load %arg8[%get3A_38, %get3A_39] : memref<128x128xf32, #tpu.memory_space<vmem>>, vector<128x128xf32>
    %dot_general3A_41 = arith.constant dense<0.000000e+00> : vector<1000x128xf32>
    %dot_general3A_42 = tpu.matmul %mul3A, %get3A_40, %dot_general3A_41 {dimension_numbers = #tpu.dot_dimension_numbers<[1], [0], [0], [1], [0, 0, 1, 1], [], []>, transpose_lhs_hint = false} : vector<1000x128xf32>, vector<128x128xf32>, vector<1000x128xf32> -> vector<1000x128xf32>
    %get3A_43 = arith.constant 0 : index
    %get3A_44 = arith.constant 0 : index
    %get3A_45 = vector.load %arg9[%get3A_43, %get3A_44] : memref<1x128xf32, #tpu.memory_space<vmem>>, vector<1x128xf32>
    %add3A_46 = vector.broadcast %get3A_45 : vector<1x128xf32> to vector<1000x128xf32>
    %add3A_47 = arith.addf %dot_general3A_42, %add3A_46 : vector<1000x128xf32>
    %get3A_48 = arith.constant 0 : index
    %get3A_49 = arith.constant 0 : index
    %get3A_50 = vector.load %arg10[%get3A_48, %get3A_49] : memref<1x128xf32, #tpu.memory_space<vmem>>, vector<1x128xf32>
    %get3A_51 = arith.constant 0 : index
    %get3A_52 = arith.constant 0 : index
    %get3A_53 = vector.load %arg11[%get3A_51, %get3A_52] : memref<1x128xf32, #tpu.memory_space<vmem>>, vector<1x128xf32>
    %reduce_sum3A = arith.constant dense<0.000000e+00> : vector<1000xf32>
    %reduce_sum3A_54 = vector.multi_reduction <add>, %add3A_47, %reduce_sum3A [1] : vector<1000x128xf32> to vector<1000xf32>
    %broadcast_in_dim3A = vector.shape_cast %reduce_sum3A_54 : vector<1000xf32> to vector<1000x1xf32>
    %div3A = arith.constant 1.280000e+02 : f32
    %div3A_55 = vector.broadcast %div3A : f32 to vector<1000x1xf32>
    %div3A_56 = arith.divf %broadcast_in_dim3A, %div3A_55 : vector<1000x1xf32>
    %sub3A = vector.broadcast %div3A_56 : vector<1000x1xf32> to vector<1000x128xf32>
    %sub3A_57 = arith.subf %add3A_47, %sub3A : vector<1000x128xf32>
    %integer_pow3A = arith.mulf %sub3A_57, %sub3A_57 : vector<1000x128xf32>
    %reduce_sum3A_58 = arith.constant dense<0.000000e+00> : vector<1000xf32>
    %reduce_sum3A_59 = vector.multi_reduction <add>, %integer_pow3A, %reduce_sum3A_58 [1] : vector<1000x128xf32> to vector<1000xf32>
    %broadcast_in_dim3A_60 = vector.shape_cast %reduce_sum3A_59 : vector<1000xf32> to vector<1000x1xf32>
    %div3A_61 = arith.constant 1.280000e+02 : f32
    %div3A_62 = vector.broadcast %div3A_61 : f32 to vector<1000x1xf32>
    %div3A_63 = arith.divf %broadcast_in_dim3A_60, %div3A_62 : vector<1000x1xf32>
    %sub3A_64 = vector.broadcast %div3A_56 : vector<1000x1xf32> to vector<1000x128xf32>
    %sub3A_65 = arith.subf %add3A_47, %sub3A_64 : vector<1000x128xf32>
    %add3A_66 = arith.constant 9.99999974E-6 : f32
    %add3A_67 = vector.broadcast %add3A_66 : f32 to vector<1000x1xf32>
    %add3A_68 = arith.addf %div3A_63, %add3A_67 : vector<1000x1xf32>
    %rsqrt3A = math.rsqrt %add3A_68 : vector<1000x1xf32>
    %mul3A_69 = vector.broadcast %rsqrt3A : vector<1000x1xf32> to vector<1000x128xf32>
    %mul3A_70 = arith.mulf %sub3A_65, %mul3A_69 : vector<1000x128xf32>
    %mul3A_71 = vector.broadcast %get3A_50 : vector<1x128xf32> to vector<1000x128xf32>
    %mul3A_72 = arith.mulf %mul3A_70, %mul3A_71 : vector<1000x128xf32>
    %add3A_73 = vector.broadcast %get3A_53 : vector<1x128xf32> to vector<1000x128xf32>
    %add3A_74 = arith.addf %mul3A_72, %add3A_73 : vector<1000x128xf32>
    %add3A_75 = arith.addf %get3A_1, %add3A_74 : vector<1000x128xf32>
    %swap3A_76 = arith.constant 0 : index
    %swap3A_77 = arith.constant 0 : index
    %swap3A_78 = vector.load %arg14[%swap3A_76, %swap3A_77] : memref<1000x128xf32, #tpu.memory_space<vmem>>, vector<1000x128xf32>
    tpu.vector_store %arg14[%swap3A_76, %swap3A_77], %add3A_75 {strides = array<i32>} : memref<1000x128xf32, #tpu.memory_space<vmem>>, vector<1000x128xf32>,
    return
  }
  func.func @transform_0(%arg0: i32) -> (i32, i32) {
    %c0_i32 = arith.constant 0 : i32
    %c0_i32_0 = arith.constant 0 : i32
    return %arg0, %c0_i32 : i32, i32
  }
  func.func @transform_1(%arg0: i32) -> (i32, i32) {
    %c0_i32 = arith.constant 0 : i32
    %c0_i32_0 = arith.constant 0 : i32
    return %arg0, %c0_i32 : i32, i32
  }
  func.func @transform_2(%arg0: i32) -> (i32, i32) {
    %c0_i32 = arith.constant 0 : i32
    %c0_i32_0 = arith.constant 0 : i32
    %c0_i32_1 = arith.constant 0 : i32
    return %c0_i32, %c0_i32_0 : i32, i32
  }
  func.func @transform_3(%arg0: i32) -> (i32, i32) {
    %c0_i32 = arith.constant 0 : i32
    %c0_i32_0 = arith.constant 0 : i32
    %c0_i32_1 = arith.constant 0 : i32
    return %c0_i32, %c0_i32_0 : i32, i32
  }
  func.func @transform_4(%arg0: i32) -> (i32, i32) {
    %c0_i32 = arith.constant 0 : i32
    %c0_i32_0 = arith.constant 0 : i32
    %c0_i32_1 = arith.constant 0 : i32
    return %c0_i32, %c0_i32_0 : i32, i32
  }
  func.func @transform_5(%arg0: i32) -> (i32, i32) {
    %c0_i32 = arith.constant 0 : i32
    %c0_i32_0 = arith.constant 0 : i32
    %c0_i32_1 = arith.constant 0 : i32
    return %c0_i32, %c0_i32_0 : i32, i32
  }
  func.func @transform_6(%arg0: i32) -> (i32, i32) {
    %c0_i32 = arith.constant 0 : i32
    %c0_i32_0 = arith.constant 0 : i32
    %c0_i32_1 = arith.constant 0 : i32
    return %c0_i32, %c0_i32_0 : i32, i32
  }
  func.func @transform_7(%arg0: i32) -> (i32, i32) {
    %c0_i32 = arith.constant 0 : i32
    %c0_i32_0 = arith.constant 0 : i32
    %c0_i32_1 = arith.constant 0 : i32
    return %c0_i32, %c0_i32_0 : i32, i32
  }
  func.func @transform_8(%arg0: i32) -> (i32, i32) {
    %c0_i32 = arith.constant 0 : i32
    %c0_i32_0 = arith.constant 0 : i32
    %c0_i32_1 = arith.constant 0 : i32
    return %c0_i32, %c0_i32_0 : i32, i32
  }
  func.func @transform_9(%arg0: i32) -> (i32, i32) {
    %c0_i32 = arith.constant 0 : i32
    %c0_i32_0 = arith.constant 0 : i32
    %c0_i32_1 = arith.constant 0 : i32
    return %c0_i32, %c0_i32_0 : i32, i32
  }
  func.func @transform_10(%arg0: i32) -> (i32, i32) {
    %c0_i32 = arith.constant 0 : i32
    %c0_i32_0 = arith.constant 0 : i32
    %c0_i32_1 = arith.constant 0 : i32
    return %c0_i32, %c0_i32_0 : i32, i32
  }
  func.func @transform_11(%arg0: i32) -> (i32, i32) {
    %c0_i32 = arith.constant 0 : i32
    %c0_i32_0 = arith.constant 0 : i32
    return %arg0, %c0_i32 : i32, i32
  }
  func.func @transform_12(%arg0: i32) -> (i32, i32) {
    %c0_i32 = arith.constant 0 : i32
    %c0_i32_0 = arith.constant 0 : i32
    return %arg0, %c0_i32 : i32, i32
  }
  func.func @transform_13(%arg0: i32) -> (i32, i32) {
    %c0_i32 = arith.constant 0 : i32
    %c0_i32_0 = arith.constant 0 : i32
    return %arg0, %c0_i32 : i32, i32
  }
}

module attributes {stable_mosaic.version = 14 : i64} {
  func.func @_edge_body(%arg0: i32, %arg1: memref<2000x128xf32, #tpu.memory_space<vmem>>, %arg2: memref<2000x128xf32, #tpu.memory_space<vmem>>, %arg3: memref<2000x128xf32, #tpu.memory_space<vmem>>, %arg4: memref<128x128xf32, #tpu.memory_space<vmem>>, %arg5: memref<128x128xf32, #tpu.memory_space<vmem>>, %arg6: memref<1x128xf32, #tpu.memory_space<vmem>>, %arg7: memref<1x128xf32, #tpu.memory_space<vmem>>, %arg8: memref<1x128xf32, #tpu.memory_space<vmem>>, %arg9: memref<2000x128xf32, #tpu.memory_space<vmem>>) attributes {dimension_semantics = [#tpu.dimension_semantics<arbitrary>], iteration_bounds = array<i64: 160>, scalar_prefetch = 0 : i64, scratch_operands = 0 : i64, tpu.core_type = #tpu.core_type<tc>, window_params = [{transform_indices = @transform_0, window_bounds = array<i64: 2000, 128>}, {transform_indices = @transform_1, window_bounds = array<i64: 2000, 128>}, {transform_indices = @transform_2, window_bounds = array<i64: 2000, 128>}, {pipeline_mode = #tpu.pipeline_mode<synchronous>, transform_indices = @transform_3, window_bounds = array<i64: 128, 128>}, {pipeline_mode = #tpu.pipeline_mode<synchronous>, transform_indices = @transform_4, window_bounds = array<i64: 128, 128>}, {pipeline_mode = #tpu.pipeline_mode<synchronous>, transform_indices = @transform_5, window_bounds = array<i64: 1, 128>}, {pipeline_mode = #tpu.pipeline_mode<synchronous>, transform_indices = @transform_6, window_bounds = array<i64: 1, 128>}, {pipeline_mode = #tpu.pipeline_mode<synchronous>, transform_indices = @transform_7, window_bounds = array<i64: 1, 128>}, {transform_indices = @transform_8, window_bounds = array<i64: 2000, 128>}]} {
    %get3A = arith.constant 0 : index
    %get3A_0 = arith.constant 0 : index
    %get3A_1 = vector.load %arg1[%get3A, %get3A_0] : memref<2000x128xf32, #tpu.memory_space<vmem>>, vector<2000x128xf32>
    %get3A_2 = arith.constant 0 : index
    %get3A_3 = arith.constant 0 : index
    %get3A_4 = vector.load %arg4[%get3A_2, %get3A_3] : memref<128x128xf32, #tpu.memory_space<vmem>>, vector<128x128xf32>
    %dot_general3A = arith.constant dense<0.000000e+00> : vector<2000x128xf32>
    %dot_general3A_5 = tpu.matmul %get3A_1, %get3A_4, %dot_general3A {dimension_numbers = #tpu.dot_dimension_numbers<[1], [0], [0], [1], [0, 0, 1, 1], [], []>, transpose_lhs_hint = false} : vector<2000x128xf32>, vector<128x128xf32>, vector<2000x128xf32> -> vector<2000x128xf32>
    %get3A_6 = arith.constant 0 : index
    %get3A_7 = arith.constant 0 : index
    %get3A_8 = vector.load %arg2[%get3A_6, %get3A_7] : memref<2000x128xf32, #tpu.memory_space<vmem>>, vector<2000x128xf32>
    %add3A = arith.addf %dot_general3A_5, %get3A_8 : vector<2000x128xf32>
    %get3A_9 = arith.constant 0 : index
    %get3A_10 = arith.constant 0 : index
    %get3A_11 = vector.load %arg3[%get3A_9, %get3A_10] : memref<2000x128xf32, #tpu.memory_space<vmem>>, vector<2000x128xf32>
    %add3A_12 = arith.addf %add3A, %get3A_11 : vector<2000x128xf32>
    %logistic3A = arith.negf %add3A_12 : vector<2000x128xf32>
    %logistic3A_13 = math.exp %logistic3A : vector<2000x128xf32>
    %logistic3A_14 = arith.constant 1.000000e+00 : f32
    %logistic3A_15 = vector.broadcast %logistic3A_14 : f32 to vector<2000x128xf32>
    %logistic3A_16 = arith.addf %logistic3A_15, %logistic3A_13 : vector<2000x128xf32>
    %logistic3A_17 = arith.divf %logistic3A_15, %logistic3A_16 : vector<2000x128xf32>
    %mul3A = arith.mulf %add3A_12, %logistic3A_17 : vector<2000x128xf32>
    %get3A_18 = arith.constant 0 : index
    %get3A_19 = arith.constant 0 : index
    %get3A_20 = vector.load %arg5[%get3A_18, %get3A_19] : memref<128x128xf32, #tpu.memory_space<vmem>>, vector<128x128xf32>
    %dot_general3A_21 = arith.constant dense<0.000000e+00> : vector<2000x128xf32>
    %dot_general3A_22 = tpu.matmul %mul3A, %get3A_20, %dot_general3A_21 {dimension_numbers = #tpu.dot_dimension_numbers<[1], [0], [0], [1], [0, 0, 1, 1], [], []>, transpose_lhs_hint = false} : vector<2000x128xf32>, vector<128x128xf32>, vector<2000x128xf32> -> vector<2000x128xf32>
    %get3A_23 = arith.constant 0 : index
    %get3A_24 = arith.constant 0 : index
    %get3A_25 = vector.load %arg6[%get3A_23, %get3A_24] : memref<1x128xf32, #tpu.memory_space<vmem>>, vector<1x128xf32>
    %add3A_26 = vector.broadcast %get3A_25 : vector<1x128xf32> to vector<2000x128xf32>
    %add3A_27 = arith.addf %dot_general3A_22, %add3A_26 : vector<2000x128xf32>
    %get3A_28 = arith.constant 0 : index
    %get3A_29 = arith.constant 0 : index
    %get3A_30 = vector.load %arg7[%get3A_28, %get3A_29] : memref<1x128xf32, #tpu.memory_space<vmem>>, vector<1x128xf32>
    %get3A_31 = arith.constant 0 : index
    %get3A_32 = arith.constant 0 : index
    %get3A_33 = vector.load %arg8[%get3A_31, %get3A_32] : memref<1x128xf32, #tpu.memory_space<vmem>>, vector<1x128xf32>
    %reduce_sum3A = arith.constant dense<0.000000e+00> : vector<2000xf32>
    %reduce_sum3A_34 = vector.multi_reduction <add>, %add3A_27, %reduce_sum3A [1] : vector<2000x128xf32> to vector<2000xf32>
    %broadcast_in_dim3A = vector.shape_cast %reduce_sum3A_34 : vector<2000xf32> to vector<2000x1xf32>
    %div3A = arith.constant 1.280000e+02 : f32
    %div3A_35 = vector.broadcast %div3A : f32 to vector<2000x1xf32>
    %div3A_36 = arith.divf %broadcast_in_dim3A, %div3A_35 : vector<2000x1xf32>
    %sub3A = vector.broadcast %div3A_36 : vector<2000x1xf32> to vector<2000x128xf32>
    %sub3A_37 = arith.subf %add3A_27, %sub3A : vector<2000x128xf32>
    %integer_pow3A = arith.mulf %sub3A_37, %sub3A_37 : vector<2000x128xf32>
    %reduce_sum3A_38 = arith.constant dense<0.000000e+00> : vector<2000xf32>
    %reduce_sum3A_39 = vector.multi_reduction <add>, %integer_pow3A, %reduce_sum3A_38 [1] : vector<2000x128xf32> to vector<2000xf32>
    %broadcast_in_dim3A_40 = vector.shape_cast %reduce_sum3A_39 : vector<2000xf32> to vector<2000x1xf32>
    %div3A_41 = arith.constant 1.280000e+02 : f32
    %div3A_42 = vector.broadcast %div3A_41 : f32 to vector<2000x1xf32>
    %div3A_43 = arith.divf %broadcast_in_dim3A_40, %div3A_42 : vector<2000x1xf32>
    %sub3A_44 = vector.broadcast %div3A_36 : vector<2000x1xf32> to vector<2000x128xf32>
    %sub3A_45 = arith.subf %add3A_27, %sub3A_44 : vector<2000x128xf32>
    %add3A_46 = arith.constant 9.99999974E-6 : f32
    %add3A_47 = vector.broadcast %add3A_46 : f32 to vector<2000x1xf32>
    %add3A_48 = arith.addf %div3A_43, %add3A_47 : vector<2000x1xf32>
    %rsqrt3A = math.rsqrt %add3A_48 : vector<2000x1xf32>
    %mul3A_49 = vector.broadcast %rsqrt3A : vector<2000x1xf32> to vector<2000x128xf32>
    %mul3A_50 = arith.mulf %sub3A_45, %mul3A_49 : vector<2000x128xf32>
    %mul3A_51 = vector.broadcast %get3A_30 : vector<1x128xf32> to vector<2000x128xf32>
    %mul3A_52 = arith.mulf %mul3A_50, %mul3A_51 : vector<2000x128xf32>
    %add3A_53 = vector.broadcast %get3A_33 : vector<1x128xf32> to vector<2000x128xf32>
    %add3A_54 = arith.addf %mul3A_52, %add3A_53 : vector<2000x128xf32>
    %swap3A = arith.constant 0 : index
    %swap3A_55 = arith.constant 0 : index
    %swap3A_56 = vector.load %arg9[%swap3A, %swap3A_55] : memref<2000x128xf32, #tpu.memory_space<vmem>>, vector<2000x128xf32>
    tpu.vector_store %arg9[%swap3A, %swap3A_55], %add3A_54 {strides = array<i32>} : memref<2000x128xf32, #tpu.memory_space<vmem>>, vector<2000x128xf32>,
    return
  }
  func.func @transform_0(%arg0: i32) -> (i32, i32) {
    %c0_i32 = arith.constant 0 : i32
    %c0_i32_0 = arith.constant 0 : i32
    return %arg0, %c0_i32 : i32, i32
  }
  func.func @transform_1(%arg0: i32) -> (i32, i32) {
    %c0_i32 = arith.constant 0 : i32
    %c0_i32_0 = arith.constant 0 : i32
    return %arg0, %c0_i32 : i32, i32
  }
  func.func @transform_2(%arg0: i32) -> (i32, i32) {
    %c0_i32 = arith.constant 0 : i32
    %c0_i32_0 = arith.constant 0 : i32
    return %arg0, %c0_i32 : i32, i32
  }
  func.func @transform_3(%arg0: i32) -> (i32, i32) {
    %c0_i32 = arith.constant 0 : i32
    %c0_i32_0 = arith.constant 0 : i32
    %c0_i32_1 = arith.constant 0 : i32
    return %c0_i32, %c0_i32_0 : i32, i32
  }
  func.func @transform_4(%arg0: i32) -> (i32, i32) {
    %c0_i32 = arith.constant 0 : i32
    %c0_i32_0 = arith.constant 0 : i32
    %c0_i32_1 = arith.constant 0 : i32
    return %c0_i32, %c0_i32_0 : i32, i32
  }
  func.func @transform_5(%arg0: i32) -> (i32, i32) {
    %c0_i32 = arith.constant 0 : i32
    %c0_i32_0 = arith.constant 0 : i32
    %c0_i32_1 = arith.constant 0 : i32
    return %c0_i32, %c0_i32_0 : i32, i32
  }
  func.func @transform_6(%arg0: i32) -> (i32, i32) {
    %c0_i32 = arith.constant 0 : i32
    %c0_i32_0 = arith.constant 0 : i32
    %c0_i32_1 = arith.constant 0 : i32
    return %c0_i32, %c0_i32_0 : i32, i32
  }
  func.func @transform_7(%arg0: i32) -> (i32, i32) {
    %c0_i32 = arith.constant 0 : i32
    %c0_i32_0 = arith.constant 0 : i32
    %c0_i32_1 = arith.constant 0 : i32
    return %c0_i32, %c0_i32_0 : i32, i32
  }
  func.func @transform_8(%arg0: i32) -> (i32, i32) {
    %c0_i32 = arith.constant 0 : i32
    %c0_i32_0 = arith.constant 0 : i32
    return %arg0, %c0_i32 : i32, i32
  }
}

module attributes {stable_mosaic.version = 14 : i64} {
  func.func @_mesh_body(%arg0: i32, %arg1: memref<1000x128xf32, #tpu.memory_space<vmem>>, %arg2: memref<1000x128xf32, #tpu.memory_space<vmem>>, %arg3: memref<1000x128xf32, #tpu.memory_space<vmem>>, %arg4: memref<128x128xf32, #tpu.memory_space<vmem>>, %arg5: memref<128x128xf32, #tpu.memory_space<vmem>>, %arg6: memref<1x128xf32, #tpu.memory_space<vmem>>, %arg7: memref<128x128xf32, #tpu.memory_space<vmem>>, %arg8: memref<1x128xf32, #tpu.memory_space<vmem>>, %arg9: memref<1x128xf32, #tpu.memory_space<vmem>>, %arg10: memref<1x128xf32, #tpu.memory_space<vmem>>, %arg11: memref<1000x128xf32, #tpu.memory_space<vmem>>) attributes {dimension_semantics = [#tpu.dimension_semantics<arbitrary>], iteration_bounds = array<i64: 10>, scalar_prefetch = 0 : i64, scratch_operands = 0 : i64, tpu.core_type = #tpu.core_type<tc>, window_params = [{transform_indices = @transform_0, window_bounds = array<i64: 1000, 128>}, {transform_indices = @transform_1, window_bounds = array<i64: 1000, 128>}, {transform_indices = @transform_2, window_bounds = array<i64: 1000, 128>}, {pipeline_mode = #tpu.pipeline_mode<synchronous>, transform_indices = @transform_3, window_bounds = array<i64: 128, 128>}, {pipeline_mode = #tpu.pipeline_mode<synchronous>, transform_indices = @transform_4, window_bounds = array<i64: 128, 128>}, {pipeline_mode = #tpu.pipeline_mode<synchronous>, transform_indices = @transform_5, window_bounds = array<i64: 1, 128>}, {pipeline_mode = #tpu.pipeline_mode<synchronous>, transform_indices = @transform_6, window_bounds = array<i64: 128, 128>}, {pipeline_mode = #tpu.pipeline_mode<synchronous>, transform_indices = @transform_7, window_bounds = array<i64: 1, 128>}, {pipeline_mode = #tpu.pipeline_mode<synchronous>, transform_indices = @transform_8, window_bounds = array<i64: 1, 128>}, {pipeline_mode = #tpu.pipeline_mode<synchronous>, transform_indices = @transform_9, window_bounds = array<i64: 1, 128>}, {transform_indices = @transform_10, window_bounds = array<i64: 1000, 128>}]} {
    %get3A = arith.constant 0 : index
    %get3A_0 = arith.constant 0 : index
    %get3A_1 = vector.load %arg3[%get3A, %get3A_0] : memref<1000x128xf32, #tpu.memory_space<vmem>>, vector<1000x128xf32>
    %get3A_2 = arith.constant 0 : index
    %get3A_3 = arith.constant 0 : index
    %get3A_4 = vector.load %arg1[%get3A_2, %get3A_3] : memref<1000x128xf32, #tpu.memory_space<vmem>>, vector<1000x128xf32>
    %get3A_5 = arith.constant 0 : index
    %get3A_6 = arith.constant 0 : index
    %get3A_7 = vector.load %arg2[%get3A_5, %get3A_6] : memref<1000x128xf32, #tpu.memory_space<vmem>>, vector<1000x128xf32>
    %add3A = arith.addf %get3A_4, %get3A_7 : vector<1000x128xf32>
    %get3A_8 = arith.constant 0 : index
    %get3A_9 = arith.constant 0 : index
    %get3A_10 = vector.load %arg4[%get3A_8, %get3A_9] : memref<128x128xf32, #tpu.memory_space<vmem>>, vector<128x128xf32>
    %dot_general3A = arith.constant dense<0.000000e+00> : vector<1000x128xf32>
    %dot_general3A_11 = tpu.matmul %add3A, %get3A_10, %dot_general3A {dimension_numbers = #tpu.dot_dimension_numbers<[1], [0], [0], [1], [0, 0, 1, 1], [], []>, transpose_lhs_hint = false} : vector<1000x128xf32>, vector<128x128xf32>, vector<1000x128xf32> -> vector<1000x128xf32>
    %get3A_12 = arith.constant 0 : index
    %get3A_13 = arith.constant 0 : index
    %get3A_14 = vector.load %arg5[%get3A_12, %get3A_13] : memref<128x128xf32, #tpu.memory_space<vmem>>, vector<128x128xf32>
    %dot_general3A_15 = arith.constant dense<0.000000e+00> : vector<1000x128xf32>
    %dot_general3A_16 = tpu.matmul %get3A_1, %get3A_14, %dot_general3A_15 {dimension_numbers = #tpu.dot_dimension_numbers<[1], [0], [0], [1], [0, 0, 1, 1], [], []>, transpose_lhs_hint = false} : vector<1000x128xf32>, vector<128x128xf32>, vector<1000x128xf32> -> vector<1000x128xf32>
    %add3A_17 = arith.addf %dot_general3A_11, %dot_general3A_16 : vector<1000x128xf32>
    %get3A_18 = arith.constant 0 : index
    %get3A_19 = arith.constant 0 : index
    %get3A_20 = vector.load %arg6[%get3A_18, %get3A_19] : memref<1x128xf32, #tpu.memory_space<vmem>>, vector<1x128xf32>
    %add3A_21 = vector.broadcast %get3A_20 : vector<1x128xf32> to vector<1000x128xf32>
    %add3A_22 = arith.addf %add3A_17, %add3A_21 : vector<1000x128xf32>
    %logistic3A = arith.negf %add3A_22 : vector<1000x128xf32>
    %logistic3A_23 = math.exp %logistic3A : vector<1000x128xf32>
    %logistic3A_24 = arith.constant 1.000000e+00 : f32
    %logistic3A_25 = vector.broadcast %logistic3A_24 : f32 to vector<1000x128xf32>
    %logistic3A_26 = arith.addf %logistic3A_25, %logistic3A_23 : vector<1000x128xf32>
    %logistic3A_27 = arith.divf %logistic3A_25, %logistic3A_26 : vector<1000x128xf32>
    %mul3A = arith.mulf %add3A_22, %logistic3A_27 : vector<1000x128xf32>
    %get3A_28 = arith.constant 0 : index
    %get3A_29 = arith.constant 0 : index
    %get3A_30 = vector.load %arg7[%get3A_28, %get3A_29] : memref<128x128xf32, #tpu.memory_space<vmem>>, vector<128x128xf32>
    %dot_general3A_31 = arith.constant dense<0.000000e+00> : vector<1000x128xf32>
    %dot_general3A_32 = tpu.matmul %mul3A, %get3A_30, %dot_general3A_31 {dimension_numbers = #tpu.dot_dimension_numbers<[1], [0], [0], [1], [0, 0, 1, 1], [], []>, transpose_lhs_hint = false} : vector<1000x128xf32>, vector<128x128xf32>, vector<1000x128xf32> -> vector<1000x128xf32>
    %get3A_33 = arith.constant 0 : index
    %get3A_34 = arith.constant 0 : index
    %get3A_35 = vector.load %arg8[%get3A_33, %get3A_34] : memref<1x128xf32, #tpu.memory_space<vmem>>, vector<1x128xf32>
    %add3A_36 = vector.broadcast %get3A_35 : vector<1x128xf32> to vector<1000x128xf32>
    %add3A_37 = arith.addf %dot_general3A_32, %add3A_36 : vector<1000x128xf32>
    %get3A_38 = arith.constant 0 : index
    %get3A_39 = arith.constant 0 : index
    %get3A_40 = vector.load %arg9[%get3A_38, %get3A_39] : memref<1x128xf32, #tpu.memory_space<vmem>>, vector<1x128xf32>
    %get3A_41 = arith.constant 0 : index
    %get3A_42 = arith.constant 0 : index
    %get3A_43 = vector.load %arg10[%get3A_41, %get3A_42] : memref<1x128xf32, #tpu.memory_space<vmem>>, vector<1x128xf32>
    %reduce_sum3A = arith.constant dense<0.000000e+00> : vector<1000xf32>
    %reduce_sum3A_44 = vector.multi_reduction <add>, %add3A_37, %reduce_sum3A [1] : vector<1000x128xf32> to vector<1000xf32>
    %broadcast_in_dim3A = vector.shape_cast %reduce_sum3A_44 : vector<1000xf32> to vector<1000x1xf32>
    %div3A = arith.constant 1.280000e+02 : f32
    %div3A_45 = vector.broadcast %div3A : f32 to vector<1000x1xf32>
    %div3A_46 = arith.divf %broadcast_in_dim3A, %div3A_45 : vector<1000x1xf32>
    %sub3A = vector.broadcast %div3A_46 : vector<1000x1xf32> to vector<1000x128xf32>
    %sub3A_47 = arith.subf %add3A_37, %sub3A : vector<1000x128xf32>
    %integer_pow3A = arith.mulf %sub3A_47, %sub3A_47 : vector<1000x128xf32>
    %reduce_sum3A_48 = arith.constant dense<0.000000e+00> : vector<1000xf32>
    %reduce_sum3A_49 = vector.multi_reduction <add>, %integer_pow3A, %reduce_sum3A_48 [1] : vector<1000x128xf32> to vector<1000xf32>
    %broadcast_in_dim3A_50 = vector.shape_cast %reduce_sum3A_49 : vector<1000xf32> to vector<1000x1xf32>
    %div3A_51 = arith.constant 1.280000e+02 : f32
    %div3A_52 = vector.broadcast %div3A_51 : f32 to vector<1000x1xf32>
    %div3A_53 = arith.divf %broadcast_in_dim3A_50, %div3A_52 : vector<1000x1xf32>
    %sub3A_54 = vector.broadcast %div3A_46 : vector<1000x1xf32> to vector<1000x128xf32>
    %sub3A_55 = arith.subf %add3A_37, %sub3A_54 : vector<1000x128xf32>
    %add3A_56 = arith.constant 9.99999974E-6 : f32
    %add3A_57 = vector.broadcast %add3A_56 : f32 to vector<1000x1xf32>
    %add3A_58 = arith.addf %div3A_53, %add3A_57 : vector<1000x1xf32>
    %rsqrt3A = math.rsqrt %add3A_58 : vector<1000x1xf32>
    %mul3A_59 = vector.broadcast %rsqrt3A : vector<1000x1xf32> to vector<1000x128xf32>
    %mul3A_60 = arith.mulf %sub3A_55, %mul3A_59 : vector<1000x128xf32>
    %mul3A_61 = vector.broadcast %get3A_40 : vector<1x128xf32> to vector<1000x128xf32>
    %mul3A_62 = arith.mulf %mul3A_60, %mul3A_61 : vector<1000x128xf32>
    %add3A_63 = vector.broadcast %get3A_43 : vector<1x128xf32> to vector<1000x128xf32>
    %add3A_64 = arith.addf %mul3A_62, %add3A_63 : vector<1000x128xf32>
    %add3A_65 = arith.addf %get3A_1, %add3A_64 : vector<1000x128xf32>
    %swap3A = arith.constant 0 : index
    %swap3A_66 = arith.constant 0 : index
    %swap3A_67 = vector.load %arg11[%swap3A, %swap3A_66] : memref<1000x128xf32, #tpu.memory_space<vmem>>, vector<1000x128xf32>
    tpu.vector_store %arg11[%swap3A, %swap3A_66], %add3A_65 {strides = array<i32>} : memref<1000x128xf32, #tpu.memory_space<vmem>>, vector<1000x128xf32>,
    return
  }
  func.func @transform_0(%arg0: i32) -> (i32, i32) {
    %c0_i32 = arith.constant 0 : i32
    %c0_i32_0 = arith.constant 0 : i32
    return %arg0, %c0_i32 : i32, i32
  }
  func.func @transform_1(%arg0: i32) -> (i32, i32) {
    %c0_i32 = arith.constant 0 : i32
    %c0_i32_0 = arith.constant 0 : i32
    return %arg0, %c0_i32 : i32, i32
  }
  func.func @transform_2(%arg0: i32) -> (i32, i32) {
    %c0_i32 = arith.constant 0 : i32
    %c0_i32_0 = arith.constant 0 : i32
    return %arg0, %c0_i32 : i32, i32
  }
  func.func @transform_3(%arg0: i32) -> (i32, i32) {
    %c0_i32 = arith.constant 0 : i32
    %c0_i32_0 = arith.constant 0 : i32
    %c0_i32_1 = arith.constant 0 : i32
    return %c0_i32, %c0_i32_0 : i32, i32
  }
  func.func @transform_4(%arg0: i32) -> (i32, i32) {
    %c0_i32 = arith.constant 0 : i32
    %c0_i32_0 = arith.constant 0 : i32
    %c0_i32_1 = arith.constant 0 : i32
    return %c0_i32, %c0_i32_0 : i32, i32
  }
  func.func @transform_5(%arg0: i32) -> (i32, i32) {
    %c0_i32 = arith.constant 0 : i32
    %c0_i32_0 = arith.constant 0 : i32
    %c0_i32_1 = arith.constant 0 : i32
    return %c0_i32, %c0_i32_0 : i32, i32
  }
  func.func @transform_6(%arg0: i32) -> (i32, i32) {
    %c0_i32 = arith.constant 0 : i32
    %c0_i32_0 = arith.constant 0 : i32
    %c0_i32_1 = arith.constant 0 : i32
    return %c0_i32, %c0_i32_0 : i32, i32
  }
  func.func @transform_7(%arg0: i32) -> (i32, i32) {
    %c0_i32 = arith.constant 0 : i32
    %c0_i32_0 = arith.constant 0 : i32
    %c0_i32_1 = arith.constant 0 : i32
    return %c0_i32, %c0_i32_0 : i32, i32
  }
  func.func @transform_8(%arg0: i32) -> (i32, i32) {
    %c0_i32 = arith.constant 0 : i32
    %c0_i32_0 = arith.constant 0 : i32
    %c0_i32_1 = arith.constant 0 : i32
    return %c0_i32, %c0_i32_0 : i32, i32
  }
  func.func @transform_9(%arg0: i32) -> (i32, i32) {
    %c0_i32 = arith.constant 0 : i32
    %c0_i32_0 = arith.constant 0 : i32
    %c0_i32_1 = arith.constant 0 : i32
    return %c0_i32, %c0_i32_0 : i32, i32
  }
  func.func @transform_10(%arg0: i32) -> (i32, i32) {
    %c0_i32 = arith.constant 0 : i32
    %c0_i32_0 = arith.constant 0 : i32
    return %arg0, %c0_i32 : i32, i32
  }
}

</mosaic_0001>

<sc_bundles>
// kernel: kernel.10.cloned.1.call-start
scs
__scs_entry_jumppad:
0x0: {  	(pc) =	sbr.rel $0x88, $3  }
0x1: {  	(tag) =	ssettag $0x0;
	lr =	simm.s32 $0x1  }
0x2: {  	[smem:$0x3F8B] =	sst lr;
	_ =	strace $0xD0000000  }
0x3: {  	_ = 	snop  }
0x4: {  	_ = 	snop  }
0x5: {  	_ = 	snop  }
0x6: {  	_ = 	snop  }
0x7: {  	_ = 	snop  }
__scs_overlays_trampoline_lowered:
0x8: {  	[smem:$0x3F9A] =	sst s0  }
0x9: {  	[smem:$0x3F9B] =	sst s1  }
0xa: {  	[smem:$0x3F9C] =	sst s2  }
0xb: {  	[smem:$0x3F9D] =	sst s3  }
0xc: {  	[smem:$0x3F9E] =	sst s4  }
0xd: {  	[smem:$0x3F9F] =	sst s5  }
0xe: {  	[smem:$0x3FA0] =	sst s6  }
0xf: {  	[smem:$0x3FA1] =	sst s7  }
0x10: {  	[smem:$0x3FA2] =	sst s8  }
0x11: {  	[smem:$0x3FA3] =	sst s9;
	s0 =	simm.s32 @!p0 $0x0  }
0x12: {  	s1 =	sld [smem:$0x3F89];
	s0 =	simm.s32 @p0 $0x1  }
0x13: {  	[smem:$0x3FA4] =	sst s0;
	s0 =	simm.s32 @!p1 $0x0  }
0x14: {  	s2 =	sld [smem:$0x3F88];
	s0 =	simm.s32 @p1 $0x1  }
0x15: {  	[smem:$0x3FA5] =	sst s0;
	s0 =	simm.s32 @!p2 $0x0  }
0x16: {  	s3 =	sld [smem:$0x3FDB];
	s0 =	simm.s32 @p2 $0x1  }
0x17: {  	s4 =	simm.s32 $0x1BF5;
	[smem:$0x3FA7] =	sst s0  }
0x18: {  	s0 =	sld [smem:$0x3F8A];
	_ =	swait.ge [sflag:s4], $0x0  }
0x19: {  	s7 =	sld [smem:$0x3F8B]  }
0x1a: {  	s8 =	sadd.s32 $0xFFFFE003, lr  }
0x1b: {  	s9 =	sadd.s32 $0xFFFFFEF7, lr;
	s5 =	simm.s32 $0xFFFFFFFF;
	p2 =	slt.u32 s8, $0xFFFFF086  }
0x1c: {  	p1 =	slt.u32 s9, $0xF7A;
	s5 =	simm.s32 @!p2 $0x0  }
0x1d: {  	s5 =	simm.s32 @p1 $0x1;
	p0 =	seq.s32 s7, s2  }
0x1e: {  	s7 =	smul.u32 @!p0 $0xF7A, s2;
	p2 =	seq.s32 @!p0 s5, $0x0  }
0x1f: {  	s9 =	smul.u32 $0xF7A, s1;
	s8 =	simm.s32 @!p0 $0x1BF5;
	p2 =	por !p2, p0  }
0x20: {  	[sflag:s8] =	ssyncset.s32 @!p0 $0xFFFFF086;
	s6 =	sadd.s32 @!p0 s3, s7;
	s7 =	simm.s32 @!p0 $0x108  }
0x21: {  	s3 =	sadd.s32 s3, s9;
	s6 =	sadd.s32 @!p0 $0x88, s6;
	s7 =	simm.s32 @p2 $0x1082  }
0x22: {  	[simem:s7], [sflag:s8] =	dma.local @!p0 [hbm:s6], $0xF7A  }
0x23: {  	s9 =	sor.u32 $0xD0000000, s2;
	s6 =	simm.s32 $0x108;
	_ =	swait.ge @!p0 [sflag:s8], $0x0  }
0x24: {  	s3 =	sadd.s32 $0x88, s3;
	s6 =	simm.s32 @!p1 $0x1082;
	[sflag:s4] =	ssyncset.s32 $0xFFFFF086  }
0x25: {  	[simem:s6], [sflag:s4] =	dma.local [hbm:s3], $0xF7A  }
0x26: {  	[smem:$0x3F8B] =	sst s1;
	(tag) =	ssettag s2;
	_ =	strace s9  }
0x27: {  	s1 =	sld [smem:$0x3F9B]  }
0x28: {  	s2 =	sld [smem:$0x3F9C]  }
0x29: {  	s4 =	sld [smem:$0x3F9E]  }
0x2a: {  	p0 =	seq.s32 s5, $0x0;
	s5 =	sld [smem:$0x3F9F]  }
0x2b: {  	s6 =	sld [smem:$0x3FA0]  }
0x2c: {  	s7 =	sld [smem:$0x3FA1]  }
0x2d: {  	s3 =	simm.s32 $0x108;
	s8 =	sld [smem:$0x3FA2]  }
0x2e: {  	s3 =	simm.s32 @!p0 $0x1082;
	s9 =	sld [smem:$0x3FA3]  }
0x2f: {  	lr =	sadd.s32 s0, s3;
	s0 =	sld [smem:$0x3F9A]  }
0x30: {  	s3 =	sld [smem:$0x3F9D]  }
0x31: {  	[smem:$0x3FA6] =	sst s10  }
0x32: {  	s10 =	sld [smem:$0x3FA4];
	_ =	sdelay $0x3  }
0x33: {  	p0 =	seq.s32 s10, $0x1;
	s10 =	sld [smem:$0x3FA6];
	_ =	sdelay $0x3  }
0x34: {  	[smem:$0x3FA6] =	sst s10  }
0x35: {  	s10 =	sld [smem:$0x3FA5];
	_ =	sdelay $0x3  }
0x36: {  	p1 =	seq.s32 s10, $0x1;
	s10 =	sld [smem:$0x3FA6];
	_ =	sdelay $0x3  }
0x37: {  	[smem:$0x3FA6] =	sst s10  }
0x38: {  	s10 =	sld [smem:$0x3FA7]  }
0x39: {  	_ = 	snop;
	(pc) =	sbr.ind lr, $3  }
0x3a: {  	_ = 	snop  }
0x3b: {  	_ = 	snop  }
0x3c: {  	p2 =	seq.s32 s10, $0x1;
	s10 =	sld [smem:$0x3FA6]  }
0x3d: {  	_ =	shalt  }
0x3e: {  	_ =	shalt  }
0x3f: {  	_ =	shalt  }
0x40: {  	_ =	shalt  }
0x41: {  	_ =	shalt  }
0x42: {  	_ =	shalt  }
0x43: {  	_ =	shalt  }
0x44: {  	_ =	shalt  }
0x45: {  	_ =	shalt  }
0x46: {  	_ =	shalt  }
0x47: {  	_ =	shalt  }
0x48: {  	_ =	shalt  }
0x49: {  	_ =	shalt  }
0x4a: {  	_ =	shalt  }
0x4b: {  	_ =	shalt  }
0x4c: {  	_ =	shalt  }
0x4d: {  	_ =	shalt  }
0x4e: {  	_ =	shalt  }
0x4f: {  	_ =	shalt  }
0x50: {  	_ =	shalt  }
0x51: {  	_ =	shalt  }
0x52: {  	_ =	shalt  }
0x53: {  	_ =	shalt  }
0x54: {  	_ =	shalt  }
0x55: {  	_ =	shalt  }
0x56: {  	_ =	shalt  }
0x57: {  	_ =	shalt  }
0x58: {  	_ =	shalt  }
0x59: {  	_ =	shalt  }
0x5a: {  	_ =	shalt  }
0x5b: {  	_ =	shalt  }
0x5c: {  	_ =	shalt  }
0x5d: {  	_ =	shalt  }
0x5e: {  	_ =	shalt  }
0x5f: {  	_ =	shalt  }
0x60: {  	_ =	shalt  }
0x61: {  	_ =	shalt  }
0x62: {  	_ =	shalt  }
0x63: {  	_ =	shalt  }
0x64: {  	_ =	shalt  }
0x65: {  	_ =	shalt  }
0x66: {  	_ =	shalt  }
0x67: {  	_ =	shalt  }
0x68: {  	_ =	shalt  }
0x69: {  	_ =	shalt  }
0x6a: {  	_ =	shalt  }
0x6b: {  	_ =	shalt  }
0x6c: {  	_ =	shalt  }
0x6d: {  	_ =	shalt  }
0x6e: {  	_ =	shalt  }
0x6f: {  	_ =	shalt  }
0x70: {  	_ =	shalt  }
0x71: {  	_ =	shalt  }
0x72: {  	_ =	shalt  }
0x73: {  	_ =	shalt  }
0x74: {  	_ =	shalt  }
0x75: {  	_ =	shalt  }
0x76: {  	_ =	shalt  }
0x77: {  	_ =	shalt  }
0x78: {  	_ =	shalt  }
0x79: {  	_ =	shalt  }
0x7a: {  	_ =	shalt  }
0x7b: {  	_ =	shalt  }
0x7c: {  	_ =	shalt  }
0x7d: {  	_ =	shalt  }
0x7e: {  	_ =	shalt  }
0x7f: {  	_ =	shalt  }
0x80: {  	_ =	shalt  }
0x81: {  	_ =	shalt  }
0x82: {  	_ =	shalt  }
0x83: {  	_ =	shalt  }
0x84: {  	_ =	shalt  }
0x85: {  	_ =	shalt  }
0x86: {  	_ =	shalt  }
0x87: {  	_ =	shalt  }
.Lfunc_end0:
.L_simem_size_0:
called_computation.1_lowered:
.L_overlay_start_0:
0x88: {  	s2 =	sld [smem:$0x3FD9]  }
0x89: {  	s3 =	sld [smem:$0x3FFE];
	_ =	sdelay $0x1  }
0x8a: {  	s1 =	srdreg.scid  }
0x8b: {  	s0 =	sand.u32 $0x1, s1  }
0x8c: {  	s16 =	sshll.u32 s0, $0xA;
	s2 =	sadd.s32 s3, s2  }
0x8d: {  	s2 =	sadd.s32 s2, s16  }
0x8e: {  	[smem:$0x3FB2] =	sst s2  }
0x8f: {  	_ = 	snop  }
0x90: {  	(tm) =	ssettm $0x1  }
0x91: {  	s17 =	sld [smem:$0x3FFB];
	_ =	sdelay $0x3  }
0x92: {  	_ =	strace s17  }
0x93: {  	s2 =	sld [smem:$0x3FFC];
	_ =	sdelay $0x3  }
0x94: {  	_ =	strace s2  }
0x95: {  	s2 =	sld [smem:$0x3FFD];
	_ =	sdelay $0x3  }
0x96: {  	_ =	strace s2  }
0x97: {  	_ =	strace $0x8FFFFFFF  }
0x98: {  	s18 =	sld [smem:$0x3FDB];
	_ =	sdelay $0x1  }
0x99: {  	s19 =	simm.s32 $_scs_section_size  }
0x9a: {  	s4 =	simm.s32 $_size__tile_overlayer_lowered;
	s5 =	simm.s32 $_tile_overlayer_lowered  }
0x9b: {  	s22 =	simm.s32 $0x1BFF;
	s21 =	sshll.u32 s5, $0x1;
	s2 =	sadd.s32 s19, s18  }
0x9c: {  	s6 =	simm.s32 $0x0;
	s20 =	sshll.u32 s4, $0x1;
	s4 =	sadd.s32 s21, s2  }
0x9d: {  	[timem:s6], [sflag:s22] =	dma.local [hbm:s4], s20  }
0x9e: {  	_ =	swait.ge [sflag:s22], s20  }
0x9f: {  	s3 =	ssub.s32 $0x0, s20;
	[sflag:s22] =	ssyncset.done $0x0  }
0xa0: {  	[sflag:s22] =	ssyncadd.s32 s3;
	_ =	sdelay $0x1  }
0xa1: {  	s23 =	simm.s32 $0x1B8B  }
0xa2: {  	_ =	swait.ge [sflag:s23], $0x1  }
0xa3: {  	[sflag:s23] =	ssyncset.done $0x0  }
0xa4: {  	s25 =	simm.s32 $0x1B8E;
	s24 =	sld [smem:$0x3FFE];
	[sflag:s23] =	ssyncadd.s32 $0xFFFFFFFF  }
0xa5: {  	s26 =	simm.s32 $execute0_lowered;
	[smem:$0x3FD2] =	sst s25  }
0xa6: {  	s4 =	sshll.u32 s26, $0x1;
	_ =	strace $0x80000049;
	[dreg:$0x1] =	wrdreg $0xFFFFFFFF  }
0xa7: {  	s28 =	simm.s32 $_size_execute0_lowered;
	s2 =	sadd.s32 s2, s4;
	[dreg:$0x0] =	wrdreg $0x0  }
0xa8: {  	s4 =	sshll.u32 s28, $0x1;
	[dreg:$0x2] =	wrdreg s2  }
0xa9: {  	[dreg:$0x3] =	wrdreg s4  }
0xaa: {  	[dreg:$0x4] =	wrdreg $0xC0  }
0xab: {  	_ =	task [dreg:s6], $0x5FFFF  }
0xac: {  	[dreg:$0x1] =	wrdreg $0xFFFFFFFF  }
0xad: {  	[dreg:$0x0] =	wrdreg $0x60  }
0xae: {  	[dreg:$0x2] =	wrdreg s24  }
0xaf: {  	[dreg:$0x3] =	wrdreg $0x0  }
0xb0: {  	[dreg:$0x4] =	wrdreg $0x9  }
0xb1: {  	_ =	task.clear_ibuf [dreg:s6], $0x5FFFF;
	_ =	strace $0x90000049  }
0xb2: {  	s29 =	simm.s32 $0x9;
	_ =	strace $0x8000004B  }
0xb3: {  	_ =	swait.ge [sflag:s29], $0x1  }
0xb4: {  	[sflag:s29] =	ssyncadd.s32 $0xFFFFFFFF  }
0xb5: {  	_ =	strace $0x9000004B  }
0xb6: {  	_ =	sfence  }
0xb7: {  	s30 =	sld [smem:$0x0];
	_ =	sdelay $0x2  }
0xb8: {  	s31 =	sshll.u32 s1, $0xD;
	s1 =	sshrl.u32 s1, $0x2  }
0xb9: {  	s3 =	sand.u32 $0x4000, s31;
	s1 =	sadd.s32 s1, s30  }
0xba: {  	s0 =	sor.u32 s3, s0;
	s1 =	sshll.u32 s1, $0x11  }
0xbb: {  	s0 =	sor.u32 s1, s0  }
0xbc: {  	s0 =	sadd.s32 $0x8F2B, s0  }
0xbd: {  	[sflag:s0] =	ssyncadd.remote.s32 $0x1  }
0xbe: {  	_ =	sfence.sel $0xFFFF  }
0xbf: {  	[dreg:$0x0] =	wrdreg $0xFFFFFFFF;
	(pc) =	sbr.abs _section_cstart, $3  }
0xc0: {  	[dreg:$0x1] =	wrdreg $0xFFFFFFFF  }
0xc1: {  	_ =	task.clear_ibuf [dreg:s6], $0x2FFFF;
	_ =	strace $0x9FFFFFFF  }
0xc2: {  	(tm) =	ssettm $0x7FFFFFFF  }
0xc3: {  	_ =	shalt  }
tec
execute0_lowered:
.L_overlay_start_1:
0x0: {  	(tag) =	ssettag $0x1  }
0x1: {  	s4 =	rddreg [dreg:$0x0];
	s0 =	srdreg.scid  }
0x2: {  	s1 =	rddreg [dreg:$0x1];
	s3 =	simm.s32 $0x0;
	s2 =	stileid.u32  }
0x3: {  	s5 =	sand.u32 $0x1, s0;
	s0 =	rddreg [dreg:$0x2];
	s8 =	smul.u32 $0x2800, s2  }
0x4: {  	[smem:$0x7FF] =	sst s3;
	s22 =	smul.u32 $0x50000, s2  }
0x5: {  	s26 =	sshll.u32 s2, $0x6;
	s28 =	sshll.u32 s2, $0xB;
	s6 =	smul.u32 $0x271000, s5  }
0x6: {  	s30 =	sshll.u32 s2, $0x4;
	s7 =	smul.u32 $0x4E20, s5;
	_ =	strace $0x8000004A  }
0x7: {  	s9 =	smul.u32 $0x28000, s5;
	s5 =	ssub.s32 $0x2, s5;
	s23 =	sadd.s32 s8, s4  }
0x8: {  	s24 =	sshrl.u32 s5, $0x1;
	s10 =	sadd.s32 s6, s4;
	s11 =	sadd.s32 s7, s4  }
0x9: {  	s8 =	sadd.s32 s8, s9;
	s6 =	sshrl.u32 s22, $0x2;
	s25 =	ssub.s32 s5, s24  }
0xa: {  	s5 =	sor.u32 $0x1C01, s26;
	s8 =	sadd.s32 s8, s4;
	s12 =	sadd.s32 s6, s1  }
0xb: {  	s4 =	sadd.s32 $0x17A00, s23;
	s29 =	sadd.s32 s28, s10;
	s7 =	smax.u32 s25, $0x1  }
0xc: {  	s31 =	sadd.s32 s30, s11;
	s11 =	simm.s32 $0x1;
	s6 =	sadd.s32 $0x3FA00, s8  }
0xd: {  	s8 =	sadd.s32 $0xA02C00, s29;
	s9 =	sadd.s32 $0xDC00, s31;
	s10 =	sshrl.u32 s12, $0x3  }
.LBB2_1:
0xe: {  	[spmem:s10], [sflag:s5] =	dma.local [hbm:s4], $0x2800  }
0xf: {  	s12 =	sadd.s32 $0x0, s2;
	_ =	swait.ge [sflag:s11], $0x2800  }
0x10: {  	p0 =	sgt.u32 s12, $0x4E1;
	[sflag:s11] =	ssyncset.done $0x0  }
0x11: {  	s12 =	simm.s32 @!p0 $0x0;
	[sflag:s11] =	ssyncadd.s32 $0xFFFFD800  }
0x12: {  	s13 =	simm.s32 @!p0 $0x14000;
	s15 =	simm.s32 @!p0 $0x2;
	[bflag:$0x0] =	sbarrier.arrive $0xFFFF  }
0x13: {  	[tilespmem:s13], [sflag:$0x2] =	stream.linear.gather @!p0 [hbm4b:s9+s12], $0x80, $0x38;
	[tilespmem:$0x18080] =	vst v63  }
0x14: {  	_ =	swait.ge @!p0 [sflag:s15], $0x80;
	p0 =	por p0, p0  }
0x15: {  	[sflag:s15] =	ssyncset.done @!p0 $0x0  }
0x16: {  	s16 =	simm.s32 @!p0 $0x14080;
	[sflag:s15] =	ssyncadd.s32 @!p0 $0xFFFFFF80  }
0x17: {  	[tilespmem:s16], [sflag:$0x2] =	stream.linear.gather @!p0 [hbm4b:s8+s12], $0x4000, $0x38;
	[tilespmem:$0x18080] =	vst v63  }
0x18: {  	s31 =	sadd.s32 $0x10, s2;
	_ =	swait.ge @!p0 [sflag:s15], $0x4000  }
0x19: {  	s14 =	simm.s32 $0x20;
	p1 =	sgt.u32 s31, $0x4E1;
	[sflag:s15] =	ssyncset.done @!p0 $0x0  }
0x1a: {  	s12 =	simm.s32 @!p0 $0x80;
	[sflag:s15] =	ssyncadd.s32 @!p0 $0xFFFFC000;
	s15 =	simm.s32 @!p0 $0x1  }
0x1b: {  	[spmem:s1] =	stream.indirect.scatter.add.f32 @!p0 [tilespmem:s16], [sflag:$0x1], $0x80, s13, s12, $0xb8;
	[tilespmem:$0x18080] =	vst v63  }
0x1c: {  	s13 =	sadd.s32 $0x100, s9;
	s12 =	sadd.s32 $0x8000, s8;
	_ =	swait.ge @!p0 [sflag:s15], $0x4000  }
.LBB2_2:
0x1d: {  	s16 =	simm.s32 @!p1 $0x0  }
0x1e: {  	s17 =	simm.s32 @!p1 $0x14000;
	[sflag:s15] =	ssyncset.done @!p0 $0x0;
	s18 =	smov.u32 s14  }
0x1f: {  	s14 =	sadd.s32 $0x10, s14;
	s19 =	simm.s32 @!p1 $0x2;
	[sflag:s15] =	ssyncadd.s32 @!p0 $0xFFFFC000  }
0x20: {  	[tilespmem:s17], [sflag:$0x2] =	stream.linear.gather @!p1 [hbm4b:s13+s16], $0x80, $0x38;
	[tilespmem:$0x18080] =	vst v63  }
0x21: {  	p2 =	sne.s32 s14, $0x4F0;
	p0 =	por p1, p1;
	_ =	swait.ge @!p1 [sflag:s19], $0x80  }
0x22: {  	[sflag:s19] =	ssyncset.done @!p0 $0x0  }
0x23: {  	s20 =	simm.s32 @!p0 $0x14080;
	[sflag:s19] =	ssyncadd.s32 @!p0 $0xFFFFFF80  }
0x24: {  	[tilespmem:s20], [sflag:$0x2] =	stream.linear.gather @!p0 [hbm4b:s12+s16], $0x4000, $0x38;
	[tilespmem:$0x18080] =	vst v63  }
.Ltmp0:
0x25: {  	_ =	swait.ge @!p0 [sflag:s19], $0x4000;
	(pc) =	sbr.rel @p2 .LBB2_2-.Ltmp0, $4  }
0x26: {  	s15 =	simm.s32 @!p0 $0x1;
	s13 =	sadd.s32 $0x100, s13;
	[sflag:s19] =	ssyncset.done @!p0 $0x0  }
0x27: {  	s16 =	sadd.s32 s18, s2;
	s18 =	simm.s32 @!p0 $0x80;
	[sflag:s19] =	ssyncadd.s32 @!p0 $0xFFFFC000  }
0x28: {  	[spmem:s1] =	stream.indirect.scatter.add.f32 @!p0 [tilespmem:s20], [sflag:$0x1], $0x80, s17, s18, $0xb8;
	[tilespmem:$0x18080] =	vst v63  }
0x29: {  	s12 =	sadd.s32 $0x8000, s12;
	p1 =	sgt.u32 s16, $0x4E1;
	_ =	swait.ge @!p0 [sflag:s15], $0x4000  }
0x2a: {  	s14 =	simm.s32 @!p1 $0x0;
	[sflag:s15] =	ssyncset.done @!p0 $0x0  }
0x2b: {  	s16 =	simm.s32 @!p1 $0x14000;
	s17 =	simm.s32 @!p1 $0x2;
	[sflag:s15] =	ssyncadd.s32 @!p0 $0xFFFFC000  }
0x2c: {  	[tilespmem:s16], [sflag:$0x2] =	stream.linear.gather @!p1 [hbm4b:s13+s14], $0x80, $0x38;
	[tilespmem:$0x18080] =	vst v63  }
0x2d: {  	p0 =	por p1, p1;
	_ =	swait.ge @!p1 [sflag:s17], $0x80  }
0x2e: {  	[sflag:s17] =	ssyncset.done @!p0 $0x0  }
0x2f: {  	s13 =	simm.s32 @!p0 $0x14080;
	[sflag:s17] =	ssyncadd.s32 @!p0 $0xFFFFFF80  }
0x30: {  	[tilespmem:s13], [sflag:$0x2] =	stream.linear.gather @!p0 [hbm4b:s12+s14], $0x4000, $0x38;
	[tilespmem:$0x18080] =	vst v63  }
0x31: {  	_ =	swait.ge @!p0 [sflag:s17], $0x4000  }
0x32: {  	[sflag:s17] =	ssyncset.done @!p0 $0x0  }
0x33: {  	s12 =	simm.s32 @!p0 $0x1;
	s14 =	simm.s32 @!p0 $0x80;
	[sflag:s17] =	ssyncadd.s32 @!p0 $0xFFFFC000  }
0x34: {  	[spmem:s1] =	stream.indirect.scatter.add.f32 @!p0 [tilespmem:s13], [sflag:$0x1], $0x80, s16, s14, $0xb8;
	[tilespmem:$0x18080] =	vst v63  }
0x35: {  	_ =	swait.ge @!p0 [sflag:s12], $0x4000  }
0x36: {  	s3 =	sadd.s32 $0x1, s3;
	[sflag:s12] =	ssyncset.done @!p0 $0x0  }
0x37: {  	[sflag:s12] =	ssyncadd.s32 @!p0 $0xFFFFC000;
	p0 =	sne.s32 s3, s7  }
.Ltmp1:
0x38: {  	[bflag:$0x0] =	sbarrier.arrive $0xFFFF;
	(pc) =	sbr.rel @p0 .LBB2_1-.Ltmp1, $4  }
0x39: {  	[hbm:s6], [sflag:s5] =	dma.local [spmem:s10], $0x2800  }
0x3a: {  	_ =	swait.ge [sflag:s11], $0x2800  }
0x3b: {  	[sflag:s11] =	ssyncset.done $0x0  }
0x3c: {  	[sflag:s11] =	ssyncadd.s32 $0xFFFFD800  }
0x3d: {  	_ =	sfence.sel $0x180000  }
0x3e: {  	[bflag:$0x0] =	sbarrier.arrive $0xFFFF  }
0x3f: {  	p0 =	sne.s32 s2, $0x0;
	_ =	strace $0x9000004A  }
0x40: {  	s0 =	sadd.s32 @!p0 $0x100000, s0;
	[bflag:$0x2] =	sbarrier.arrive $0xFFFF  }
0x41: {  	[sflag:s0] =	ssyncadd.tile.s32 @!p0 $0x1;
	_ =	shalt  }
.Lfunc_end2:
_tile_overlayer_lowered:
.L_overlay_start_2:
0x42: {  	(tag) =	ssettag $0x2  }
0x43: {  	s0 =	rddreg [dreg:$0x0];
	s2 =	stileid.u32  }
0x44: {  	s1 =	rddreg [dreg:$0x1];
	p0 =	sne.s32 s2, $0x0  }
0x45: {  	s3 =	rddreg [dreg:$0x2];
	[bflag:$0x3] =	sbarrier.arrive $0xFFFF;
	s2 =	simm.s32 @!p0 $0x1C01  }
0x46: {  	[timem:s3], [sflag:s2] =	dma.local @!p0 [hbm:s0], s1  }
0x47: {  	s0 =	simm.s32 @!p0 $0x1  }
0x48: {  	_ =	swait.ge @!p0 [sflag:s0], s1  }
0x49: {  	s1 =	ssub.s32 @!p0 $0x0, s1;
	[sflag:s0] =	ssyncset.done @!p0 $0x0  }
0x4a: {  	[sflag:s0] =	ssyncadd.s32 @!p0 s1  }
0x4b: {  	[bflag:$0x3] =	sbarrier.arrive $0xFFFF  }
0x4c: {  	_ =	shalt  }

// kernel: kernel.7.cloned.1.call-start
scs
__scs_entry_jumppad:
0x0: {  	(pc) =	sbr.rel $0x88, $3  }
0x1: {  	(tag) =	ssettag $0x0;
	lr =	simm.s32 $0x1  }
0x2: {  	[smem:$0x3F8B] =	sst lr;
	_ =	strace $0xD0000000  }
0x3: {  	_ = 	snop  }
0x4: {  	_ = 	snop  }
0x5: {  	_ = 	snop  }
0x6: {  	_ = 	snop  }
0x7: {  	_ = 	snop  }
__scs_overlays_trampoline_lowered:
0x8: {  	[smem:$0x3F9A] =	sst s0  }
0x9: {  	[smem:$0x3F9B] =	sst s1  }
0xa: {  	[smem:$0x3F9C] =	sst s2  }
0xb: {  	[smem:$0x3F9D] =	sst s3  }
0xc: {  	[smem:$0x3F9E] =	sst s4  }
0xd: {  	[smem:$0x3F9F] =	sst s5  }
0xe: {  	[smem:$0x3FA0] =	sst s6  }
0xf: {  	[smem:$0x3FA1] =	sst s7  }
0x10: {  	[smem:$0x3FA2] =	sst s8  }
0x11: {  	[smem:$0x3FA3] =	sst s9;
	s0 =	simm.s32 @!p0 $0x0  }
0x12: {  	s1 =	sld [smem:$0x3F89];
	s0 =	simm.s32 @p0 $0x1  }
0x13: {  	[smem:$0x3FA4] =	sst s0;
	s0 =	simm.s32 @!p1 $0x0  }
0x14: {  	s2 =	sld [smem:$0x3F88];
	s0 =	simm.s32 @p1 $0x1  }
0x15: {  	[smem:$0x3FA5] =	sst s0;
	s0 =	simm.s32 @!p2 $0x0  }
0x16: {  	s3 =	sld [smem:$0x3FDB];
	s0 =	simm.s32 @p2 $0x1  }
0x17: {  	s4 =	simm.s32 $0x1BF5;
	[smem:$0x3FA7] =	sst s0  }
0x18: {  	s0 =	sld [smem:$0x3F8A];
	_ =	swait.ge [sflag:s4], $0x0  }
0x19: {  	s7 =	sld [smem:$0x3F8B]  }
0x1a: {  	s8 =	sadd.s32 $0xFFFFE003, lr  }
0x1b: {  	s9 =	sadd.s32 $0xFFFFFEF7, lr;
	s5 =	simm.s32 $0xFFFFFFFF;
	p2 =	slt.u32 s8, $0xFFFFF086  }
0x1c: {  	p1 =	slt.u32 s9, $0xF7A;
	s5 =	simm.s32 @!p2 $0x0  }
0x1d: {  	s5 =	simm.s32 @p1 $0x1;
	p0 =	seq.s32 s7, s2  }
0x1e: {  	s7 =	smul.u32 @!p0 $0xF7A, s2;
	p2 =	seq.s32 @!p0 s5, $0x0  }
0x1f: {  	s9 =	smul.u32 $0xF7A, s1;
	s8 =	simm.s32 @!p0 $0x1BF5;
	p2 =	por !p2, p0  }
0x20: {  	[sflag:s8] =	ssyncset.s32 @!p0 $0xFFFFF086;
	s6 =	sadd.s32 @!p0 s3, s7;
	s7 =	simm.s32 @!p0 $0x108  }
0x21: {  	s3 =	sadd.s32 s3, s9;
	s6 =	sadd.s32 @!p0 $0x88, s6;
	s7 =	simm.s32 @p2 $0x1082  }
0x22: {  	[simem:s7], [sflag:s8] =	dma.local @!p0 [hbm:s6], $0xF7A  }
0x23: {  	s9 =	sor.u32 $0xD0000000, s2;
	s6 =	simm.s32 $0x108;
	_ =	swait.ge @!p0 [sflag:s8], $0x0  }
0x24: {  	s3 =	sadd.s32 $0x88, s3;
	s6 =	simm.s32 @!p1 $0x1082;
	[sflag:s4] =	ssyncset.s32 $0xFFFFF086  }
0x25: {  	[simem:s6], [sflag:s4] =	dma.local [hbm:s3], $0xF7A  }
0x26: {  	[smem:$0x3F8B] =	sst s1;
	(tag) =	ssettag s2;
	_ =	strace s9  }
0x27: {  	s1 =	sld [smem:$0x3F9B]  }
0x28: {  	s2 =	sld [smem:$0x3F9C]  }
0x29: {  	s4 =	sld [smem:$0x3F9E]  }
0x2a: {  	p0 =	seq.s32 s5, $0x0;
	s5 =	sld [smem:$0x3F9F]  }
0x2b: {  	s6 =	sld [smem:$0x3FA0]  }
0x2c: {  	s7 =	sld [smem:$0x3FA1]  }
0x2d: {  	s3 =	simm.s32 $0x108;
	s8 =	sld [smem:$0x3FA2]  }
0x2e: {  	s3 =	simm.s32 @!p0 $0x1082;
	s9 =	sld [smem:$0x3FA3]  }
0x2f: {  	lr =	sadd.s32 s0, s3;
	s0 =	sld [smem:$0x3F9A]  }
0x30: {  	s3 =	sld [smem:$0x3F9D]  }
0x31: {  	[smem:$0x3FA6] =	sst s10  }
0x32: {  	s10 =	sld [smem:$0x3FA4];
	_ =	sdelay $0x3  }
0x33: {  	p0 =	seq.s32 s10, $0x1;
	s10 =	sld [smem:$0x3FA6];
	_ =	sdelay $0x3  }
0x34: {  	[smem:$0x3FA6] =	sst s10  }
0x35: {  	s10 =	sld [smem:$0x3FA5];
	_ =	sdelay $0x3  }
0x36: {  	p1 =	seq.s32 s10, $0x1;
	s10 =	sld [smem:$0x3FA6];
	_ =	sdelay $0x3  }
0x37: {  	[smem:$0x3FA6] =	sst s10  }
0x38: {  	s10 =	sld [smem:$0x3FA7]  }
0x39: {  	_ = 	snop;
	(pc) =	sbr.ind lr, $3  }
0x3a: {  	_ = 	snop  }
0x3b: {  	_ = 	snop  }
0x3c: {  	p2 =	seq.s32 s10, $0x1;
	s10 =	sld [smem:$0x3FA6]  }
0x3d: {  	_ =	shalt  }
0x3e: {  	_ =	shalt  }
0x3f: {  	_ =	shalt  }
0x40: {  	_ =	shalt  }
0x41: {  	_ =	shalt  }
0x42: {  	_ =	shalt  }
0x43: {  	_ =	shalt  }
0x44: {  	_ =	shalt  }
0x45: {  	_ =	shalt  }
0x46: {  	_ =	shalt  }
0x47: {  	_ =	shalt  }
0x48: {  	_ =	shalt  }
0x49: {  	_ =	shalt  }
0x4a: {  	_ =	shalt  }
0x4b: {  	_ =	shalt  }
0x4c: {  	_ =	shalt  }
0x4d: {  	_ =	shalt  }
0x4e: {  	_ =	shalt  }
0x4f: {  	_ =	shalt  }
0x50: {  	_ =	shalt  }
0x51: {  	_ =	shalt  }
0x52: {  	_ =	shalt  }
0x53: {  	_ =	shalt  }
0x54: {  	_ =	shalt  }
0x55: {  	_ =	shalt  }
0x56: {  	_ =	shalt  }
0x57: {  	_ =	shalt  }
0x58: {  	_ =	shalt  }
0x59: {  	_ =	shalt  }
0x5a: {  	_ =	shalt  }
0x5b: {  	_ =	shalt  }
0x5c: {  	_ =	shalt  }
0x5d: {  	_ =	shalt  }
0x5e: {  	_ =	shalt  }
0x5f: {  	_ =	shalt  }
0x60: {  	_ =	shalt  }
0x61: {  	_ =	shalt  }
0x62: {  	_ =	shalt  }
0x63: {  	_ =	shalt  }
0x64: {  	_ =	shalt  }
0x65: {  	_ =	shalt  }
0x66: {  	_ =	shalt  }
0x67: {  	_ =	shalt  }
0x68: {  	_ =	shalt  }
0x69: {  	_ =	shalt  }
0x6a: {  	_ =	shalt  }
0x6b: {  	_ =	shalt  }
0x6c: {  	_ =	shalt  }
0x6d: {  	_ =	shalt  }
0x6e: {  	_ =	shalt  }
0x6f: {  	_ =	shalt  }
0x70: {  	_ =	shalt  }
0x71: {  	_ =	shalt  }
0x72: {  	_ =	shalt  }
0x73: {  	_ =	shalt  }
0x74: {  	_ =	shalt  }
0x75: {  	_ =	shalt  }
0x76: {  	_ =	shalt  }
0x77: {  	_ =	shalt  }
0x78: {  	_ =	shalt  }
0x79: {  	_ =	shalt  }
0x7a: {  	_ =	shalt  }
0x7b: {  	_ =	shalt  }
0x7c: {  	_ =	shalt  }
0x7d: {  	_ =	shalt  }
0x7e: {  	_ =	shalt  }
0x7f: {  	_ =	shalt  }
0x80: {  	_ =	shalt  }
0x81: {  	_ =	shalt  }
0x82: {  	_ =	shalt  }
0x83: {  	_ =	shalt  }
0x84: {  	_ =	shalt  }
0x85: {  	_ =	shalt  }
0x86: {  	_ =	shalt  }
0x87: {  	_ =	shalt  }
.Lfunc_end0:
.L_simem_size_0:
called_computation_lowered:
.L_overlay_start_0:
0x88: {  	s2 =	sld [smem:$0x3FD9]  }
0x89: {  	s3 =	sld [smem:$0x3FFE];
	_ =	sdelay $0x1  }
0x8a: {  	s1 =	srdreg.scid  }
0x8b: {  	s0 =	sand.u32 $0x1, s1  }
0x8c: {  	s14 =	sshll.u32 s0, $0xA;
	s2 =	sadd.s32 s3, s2  }
0x8d: {  	s2 =	sadd.s32 s2, s14  }
0x8e: {  	[smem:$0x3FB2] =	sst s2  }
0x8f: {  	_ = 	snop  }
0x90: {  	s2 =	sld [smem:$0x3FD0];
	_ =	sdelay $0x2  }
0x91: {  	s15 =	simm.s32 $0xA;
	s4 =	simm.s32 $0x10  }
0x92: {  	[smem:s4], [sflag:s15] =	dma.local [hbm:s2], $0x1  }
0x93: {  	_ =	swait.eq [sflag:s15], $0x1  }
0x94: {  	[sflag:s15] =	ssyncset.done $0x0  }
0x95: {  	[sflag:s15] =	ssyncadd.s32 $0xFFFFFFFF  }
0x96: {  	s16 =	sld [smem:$0x11];
	(tm) =	ssettm $0x1  }
0x97: {  	s17 =	sld [smem:$0x3FFB];
	_ =	sdelay $0x3  }
0x98: {  	_ =	strace s17  }
0x99: {  	s3 =	sld [smem:$0x3FFC];
	_ =	sdelay $0x3  }
0x9a: {  	_ =	strace s3  }
0x9b: {  	s3 =	sld [smem:$0x3FFD];
	_ =	sdelay $0x3  }
0x9c: {  	_ =	strace s3  }
0x9d: {  	_ =	strace $0x8FFFFFFF  }
0x9e: {  	s18 =	sld [smem:$0x3FDB];
	_ =	sdelay $0x1  }
0x9f: {  	s19 =	simm.s32 $_scs_section_size  }
0xa0: {  	s5 =	simm.s32 $_size__tile_overlayer_lowered;
	s6 =	simm.s32 $_tile_overlayer_lowered  }
0xa1: {  	s22 =	simm.s32 $0x1BFF;
	s21 =	sshll.u32 s6, $0x1;
	s3 =	sadd.s32 s19, s18  }
0xa2: {  	s7 =	simm.s32 $0x0;
	s20 =	sshll.u32 s5, $0x1;
	s5 =	sadd.s32 s21, s3  }
0xa3: {  	[timem:s7], [sflag:s22] =	dma.local [hbm:s5], s20  }
0xa4: {  	_ =	swait.ge [sflag:s22], s20  }
0xa5: {  	s4 =	ssub.s32 $0x0, s20;
	[sflag:s22] =	ssyncset.done $0x0  }
0xa6: {  	[sflag:s22] =	ssyncadd.s32 s4;
	_ =	sdelay $0x1  }
0xa7: {  	s23 =	simm.s32 $0x1B8B  }
0xa8: {  	_ =	swait.ge [sflag:s23], $0x1  }
0xa9: {  	[sflag:s23] =	ssyncset.done $0x0  }
0xaa: {  	s25 =	simm.s32 $0x1B8E;
	s24 =	sld [smem:$0x3FFE];
	[sflag:s23] =	ssyncadd.s32 $0xFFFFFFFF  }
0xab: {  	s26 =	simm.s32 $execute0_lowered;
	[smem:$0x3FD2] =	sst s25  }
0xac: {  	s5 =	sshll.u32 s26, $0x1;
	_ =	strace $0x80000046;
	[dreg:$0x1] =	wrdreg $0xFFFFFFFF  }
0xad: {  	s28 =	simm.s32 $_size_execute0_lowered;
	s3 =	sadd.s32 s3, s5;
	[dreg:$0x0] =	wrdreg $0x0  }
0xae: {  	s5 =	sshll.u32 s28, $0x1;
	[dreg:$0x2] =	wrdreg s3  }
0xaf: {  	[dreg:$0x3] =	wrdreg s5  }
0xb0: {  	[dreg:$0x4] =	wrdreg $0xC0  }
0xb1: {  	_ =	task [dreg:s7], $0x5FFFF  }
0xb2: {  	[dreg:$0x1] =	wrdreg $0xFFFFFFFF  }
0xb3: {  	[dreg:$0x0] =	wrdreg $0x60  }
0xb4: {  	[dreg:$0x2] =	wrdreg s16  }
0xb5: {  	[dreg:$0x3] =	wrdreg s24  }
0xb6: {  	[dreg:$0x4] =	wrdreg $0x9  }
0xb7: {  	_ =	task.clear_ibuf [dreg:s7], $0x5FFFF;
	_ =	strace $0x90000046  }
0xb8: {  	s29 =	simm.s32 $0x9;
	_ =	strace $0x80000048  }
0xb9: {  	_ =	swait.ge [sflag:s29], $0x1  }
0xba: {  	[sflag:s29] =	ssyncadd.s32 $0xFFFFFFFF  }
0xbb: {  	_ =	strace $0x90000048  }
0xbc: {  	_ =	sfence  }
0xbd: {  	s30 =	sld [smem:$0x0];
	_ =	sdelay $0x2  }
0xbe: {  	s31 =	sshll.u32 s1, $0xD;
	s1 =	sshrl.u32 s1, $0x2  }
0xbf: {  	s3 =	sand.u32 $0x4000, s31;
	s1 =	sadd.s32 s1, s30  }
0xc0: {  	s0 =	sor.u32 s3, s0;
	s1 =	sshll.u32 s1, $0x11  }
0xc1: {  	s0 =	sor.u32 s1, s0  }
0xc2: {  	s0 =	sadd.s32 $0x8F2B, s0  }
0xc3: {  	[sflag:s0] =	ssyncadd.remote.s32 $0x1  }
0xc4: {  	_ =	sfence.sel $0xFFFF  }
0xc5: {  	[dreg:$0x0] =	wrdreg $0xFFFFFFFF;
	(pc) =	sbr.abs _section_cstart, $3  }
0xc6: {  	[dreg:$0x1] =	wrdreg $0xFFFFFFFF  }
0xc7: {  	_ =	task.clear_ibuf [dreg:s7], $0x2FFFF;
	_ =	strace $0x9FFFFFFF  }
0xc8: {  	(tm) =	ssettm $0x7FFFFFFF  }
0xc9: {  	_ =	shalt  }
tec
execute0_lowered:
.L_overlay_start_1:
0x0: {  	(tag) =	ssettag $0x1  }
0x1: {  	s1 =	rddreg [dreg:$0x0]  }
0x2: {  	s5 =	rddreg [dreg:$0x1]  }
0x3: {  	s0 =	rddreg [dreg:$0x2]  }
0x4: {  	s3 =	simm.s32 $0x0;
	s4 =	srdreg.scid;
	s2 =	stileid.u32  }
0x5: {  	[smem:$0x7FF] =	sst s3;
	s6 =	sand.u32 $0x1, s4;
	s4 =	sadd.s32 $0x17A00, s5  }
0x6: {  	s7 =	sshll.u32 s2, $0x5;
	s9 =	sshll.u32 s2, $0xC;
	_ =	strace $0x80000047  }
0x7: {  	s8 =	ssub.s32 $0x2, s6;
	s7 =	sadd.s32 s7, s5;
	s9 =	sadd.s32 s9, s5  }
0x8: {  	s31 =	sshll.u32 s6, $0x4;
	s11 =	sshll.u32 s6, $0xB;
	s10 =	sshrl.u32 s8, $0x1  }
0x9: {  	s5 =	sshll.u32 s2, $0x1;
	s11 =	sadd.s32 s11, s9;
	s8 =	ssub.s32 s8, s10  }
0xa: {  	s10 =	sadd.s32 s31, s7;
	s9 =	sadd.s32 $0x520C00, s11;
	s6 =	smax.u32 s8, $0x1  }
0xb: {  	s7 =	sadd.s32 $0xDC00, s10;
	s8 =	sadd.s32 $0x3E00, s10;
	s10 =	sadd.s32 $0x3EC00, s11  }
.LBB2_1:
0xc: {  	p0 =	sgt.u32 s5, $0x9C3  }
0xd: {  	s11 =	sadd.s32 @!p0 $0x0, s8;
	s12 =	simm.s32 @!p0 $0x0;
	s15 =	simm.s32 @!p0 $0x4  }
0xe: {  	[tilespmem:s12], [sflag:$0x4] =	stream.linear.gather @!p0 [hbm4b:s11+s12], $0x80, $0x38;
	[tilespmem:$0x8100] =	vst v63  }
0xf: {  	_ =	swait.ge @!p0 [sflag:s15], $0x80;
	p0 =	por p0, p0  }
0x10: {  	[sflag:s15] =	ssyncset.done @!p0 $0x0  }
0x11: {  	s11 =	sadd.s32 @!p0 $0x0, s7;
	s13 =	simm.s32 @!p0 $0x80;
	[sflag:s15] =	ssyncadd.s32 @!p0 $0xFFFFFF80  }
0x12: {  	[tilespmem:s13], [sflag:$0x4] =	stream.linear.gather @!p0 [hbm4b:s11+s12], $0x80, $0x38;
	[tilespmem:$0x8100] =	vst v63  }
0x13: {  	_ =	swait.ge @!p0 [sflag:s15], $0x80  }
0x14: {  	[sflag:s15] =	ssyncset.done @!p0 $0x0  }
0x15: {  	s11 =	simm.s32 @!p0 $0x100;
	[sflag:s15] =	ssyncadd.s32 @!p0 $0xFFFFFF80  }
0x16: {  	[tilespmem:s11], [sflag:$0x1] =	stream.indirect.gather @!p0 [hbm4b:s1+s13], $0x80, s12, s13, $0xb8;
	[tilespmem:$0x8100] =	vst v63  }
0x17: {  	s16 =	simm.s32 @!p0 $0x4100;
	s14 =	simm.s32 @!p0 $0x1  }
0x18: {  	[tilespmem:s16], [sflag:$0x2] =	stream.indirect.gather @!p0 [hbm4b:s4+s13], $0x80, s13, s13, $0xb8;
	[tilespmem:$0x8100] =	vst v63  }
0x19: {  	_ =	swait.ge @!p0 [sflag:s14], $0x4000  }
0x1a: {  	[sflag:s14] =	ssyncset.done @!p0 $0x0  }
0x1b: {  	s13 =	simm.s32 @!p0 $0x2;
	[sflag:s14] =	ssyncadd.s32 @!p0 $0xFFFFC000  }
0x1c: {  	_ =	swait.ge @!p0 [sflag:s13], $0x4000  }
0x1d: {  	[sflag:s13] =	ssyncset.done @!p0 $0x0  }
0x1e: {  	[sflag:s13] =	ssyncadd.s32 @!p0 $0xFFFFC000  }
0x1f: {  	[hbm4b:s10+s12] =	stream.linear.scatter @!p0 [tilespmem:s11], [sflag:$0x4], $0x4000, $0x38;
	[tilespmem:$0x8100] =	vst v63  }
0x20: {  	_ =	swait.ge @!p0 [sflag:s15], $0x4000  }
0x21: {  	[sflag:s15] =	ssyncset.done @!p0 $0x0  }
0x22: {  	s14 =	simm.s32 $0x400;
	s13 =	simm.s32 $0x200;
	[sflag:s15] =	ssyncadd.s32 @!p0 $0xFFFFC000  }
0x23: {  	[hbm4b:s9+s12] =	stream.linear.scatter @!p0 [tilespmem:s16], [sflag:$0x3], $0x4000, $0x38;
	[tilespmem:$0x8100] =	vst v63  }
0x24: {  	s11 =	sadd.s32 $0x10000, s10;
	s15 =	sadd.s32 $0x20, s5;
	s16 =	simm.s32 @!p0 $0x3  }
0x25: {  	p2 =	sgt.u32 s15, $0x9C3;
	s12 =	sadd.s32 $0x10000, s9;
	_ =	swait.ge @!p0 [sflag:s16], $0x4000  }
.LBB2_2:
0x26: {  	s17 =	sadd.s32 @!p2 s13, s8  }
0x27: {  	s18 =	simm.s32 @!p2 $0x0;
	[sflag:s16] =	ssyncset.done @!p0 $0x0;
	s19 =	smov.u32 s14  }
0x28: {  	s14 =	sadd.s32 $0x200, s14;
	s20 =	simm.s32 @!p2 $0x4;
	[sflag:s16] =	ssyncadd.s32 @!p0 $0xFFFFC000  }
0x29: {  	[tilespmem:s18], [sflag:$0x4] =	stream.linear.gather @!p2 [hbm4b:s17+s18], $0x80, $0x38;
	[tilespmem:$0x8100] =	vst v63  }
0x2a: {  	p1 =	sne.s32 s14, $0x9E00;
	p0 =	por p2, p2;
	_ =	swait.ge @!p2 [sflag:s20], $0x80  }
0x2b: {  	[sflag:s20] =	ssyncset.done @!p0 $0x0  }
0x2c: {  	s13 =	sadd.s32 @!p0 s13, s7;
	s16 =	simm.s32 @!p0 $0x80;
	[sflag:s20] =	ssyncadd.s32 @!p0 $0xFFFFFF80  }
0x2d: {  	[tilespmem:s16], [sflag:$0x4] =	stream.linear.gather @!p0 [hbm4b:s13+s18], $0x80, $0x38;
	[tilespmem:$0x8100] =	vst v63  }
0x2e: {  	s13 =	smov.u32 s19;
	_ =	swait.ge @!p0 [sflag:s20], $0x80  }
0x2f: {  	[sflag:s20] =	ssyncset.done @!p0 $0x0  }
0x30: {  	s17 =	simm.s32 @!p0 $0x100;
	[sflag:s20] =	ssyncadd.s32 @!p0 $0xFFFFFF80  }
0x31: {  	[tilespmem:s17], [sflag:$0x1] =	stream.indirect.gather @!p0 [hbm4b:s1+s16], $0x80, s18, s16, $0xb8;
	[tilespmem:$0x8100] =	vst v63  }
0x32: {  	s21 =	simm.s32 @!p0 $0x1;
	s19 =	simm.s32 @!p0 $0x4100  }
0x33: {  	[tilespmem:s19], [sflag:$0x2] =	stream.indirect.gather @!p0 [hbm4b:s4+s16], $0x80, s16, s16, $0xb8;
	[tilespmem:$0x8100] =	vst v63  }
0x34: {  	_ =	swait.ge @!p0 [sflag:s21], $0x4000  }
0x35: {  	[sflag:s21] =	ssyncset.done @!p0 $0x0  }
0x36: {  	s16 =	simm.s32 @!p0 $0x2;
	[sflag:s21] =	ssyncadd.s32 @!p0 $0xFFFFC000  }
0x37: {  	_ =	swait.ge @!p0 [sflag:s16], $0x4000  }
0x38: {  	[sflag:s16] =	ssyncset.done @!p0 $0x0  }
0x39: {  	[sflag:s16] =	ssyncadd.s32 @!p0 $0xFFFFC000  }
0x3a: {  	[hbm4b:s11+s18] =	stream.linear.scatter @!p0 [tilespmem:s17], [sflag:$0x4], $0x4000, $0x38;
	[tilespmem:$0x8100] =	vst v63  }
.Ltmp0:
0x3b: {  	_ =	swait.ge @!p0 [sflag:s20], $0x4000;
	(pc) =	sbr.rel @p1 .LBB2_2-.Ltmp0, $4  }
0x3c: {  	s11 =	sadd.s32 $0x10000, s11;
	[sflag:s20] =	ssyncset.done @!p0 $0x0  }
0x3d: {  	s15 =	sadd.s32 $0x20, s15;
	s16 =	simm.s32 @!p0 $0x3;
	[sflag:s20] =	ssyncadd.s32 @!p0 $0xFFFFC000  }
0x3e: {  	[hbm4b:s12+s18] =	stream.linear.scatter @!p0 [tilespmem:s19], [sflag:$0x3], $0x4000, $0x38;
	[tilespmem:$0x8100] =	vst v63  }
0x3f: {  	p2 =	sgt.u32 s15, $0x9C3;
	s12 =	sadd.s32 $0x10000, s12;
	_ =	swait.ge @!p0 [sflag:s16], $0x4000  }
0x40: {  	s14 =	sadd.s32 @!p2 s13, s8;
	[sflag:s16] =	ssyncset.done @!p0 $0x0  }
0x41: {  	s15 =	simm.s32 @!p2 $0x0;
	s17 =	simm.s32 @!p2 $0x4;
	[sflag:s16] =	ssyncadd.s32 @!p0 $0xFFFFC000  }
0x42: {  	[tilespmem:s15], [sflag:$0x4] =	stream.linear.gather @!p2 [hbm4b:s14+s15], $0x80, $0x38;
	[tilespmem:$0x8100] =	vst v63  }
0x43: {  	p0 =	por p2, p2;
	_ =	swait.ge @!p2 [sflag:s17], $0x80  }
0x44: {  	[sflag:s17] =	ssyncset.done @!p0 $0x0  }
0x45: {  	s13 =	sadd.s32 @!p0 s13, s7;
	s14 =	simm.s32 @!p0 $0x80;
	[sflag:s17] =	ssyncadd.s32 @!p0 $0xFFFFFF80  }
0x46: {  	[tilespmem:s14], [sflag:$0x4] =	stream.linear.gather @!p0 [hbm4b:s13+s15], $0x80, $0x38;
	[tilespmem:$0x8100] =	vst v63  }
0x47: {  	_ =	swait.ge @!p0 [sflag:s17], $0x80  }
0x48: {  	[sflag:s17] =	ssyncset.done @!p0 $0x0  }
0x49: {  	s13 =	simm.s32 @!p0 $0x100;
	[sflag:s17] =	ssyncadd.s32 @!p0 $0xFFFFFF80  }
0x4a: {  	[tilespmem:s13], [sflag:$0x1] =	stream.indirect.gather @!p0 [hbm4b:s1+s14], $0x80, s15, s14, $0xb8;
	[tilespmem:$0x8100] =	vst v63  }
0x4b: {  	s16 =	simm.s32 @!p0 $0x4100;
	s18 =	simm.s32 @!p0 $0x1  }
0x4c: {  	[tilespmem:s16], [sflag:$0x2] =	stream.indirect.gather @!p0 [hbm4b:s4+s14], $0x80, s14, s14, $0xb8;
	[tilespmem:$0x8100] =	vst v63  }
0x4d: {  	_ =	swait.ge @!p0 [sflag:s18], $0x4000  }
0x4e: {  	[sflag:s18] =	ssyncset.done @!p0 $0x0  }
0x4f: {  	s14 =	simm.s32 @!p0 $0x2;
	[sflag:s18] =	ssyncadd.s32 @!p0 $0xFFFFC000  }
0x50: {  	_ =	swait.ge @!p0 [sflag:s14], $0x4000  }
0x51: {  	[sflag:s14] =	ssyncset.done @!p0 $0x0  }
0x52: {  	[sflag:s14] =	ssyncadd.s32 @!p0 $0xFFFFC000  }
0x53: {  	[hbm4b:s11+s15] =	stream.linear.scatter @!p0 [tilespmem:s13], [sflag:$0x4], $0x4000, $0x38;
	[tilespmem:$0x8100] =	vst v63  }
0x54: {  	s3 =	sadd.s32 $0x1, s3;
	_ =	swait.ge @!p0 [sflag:s17], $0x4000  }
0x55: {  	p1 =	sne.s32 s3, s6;
	[sflag:s17] =	ssyncset.done @!p0 $0x0  }
.Ltmp1:
0x56: {  	s11 =	simm.s32 @!p0 $0x3;
	[sflag:s17] =	ssyncadd.s32 @!p0 $0xFFFFC000;
	(pc) =	sbr.rel @p1 .LBB2_1-.Ltmp1, $4  }
0x57: {  	[hbm4b:s12+s15] =	stream.linear.scatter @!p0 [tilespmem:s16], [sflag:$0x3], $0x4000, $0x38;
	[tilespmem:$0x8100] =	vst v63  }
0x58: {  	_ =	swait.ge @!p0 [sflag:s11], $0x4000  }
0x59: {  	[sflag:s11] =	ssyncset.done @!p0 $0x0  }
0x5a: {  	[sflag:s11] =	ssyncadd.s32 @!p0 $0xFFFFC000  }
0x5b: {  	_ =	sfence.sel $0x180000  }
0x5c: {  	[bflag:$0x0] =	sbarrier.arrive $0xFFFF  }
0x5d: {  	p0 =	sne.s32 s2, $0x0;
	_ =	strace $0x90000047  }
0x5e: {  	s0 =	sadd.s32 @!p0 $0x100000, s0;
	[bflag:$0x2] =	sbarrier.arrive $0xFFFF  }
0x5f: {  	[sflag:s0] =	ssyncadd.tile.s32 @!p0 $0x1;
	_ =	shalt  }
.Lfunc_end2:
_tile_overlayer_lowered:
.L_overlay_start_2:
0x60: {  	(tag) =	ssettag $0x2  }
0x61: {  	s0 =	rddreg [dreg:$0x0];
	s2 =	stileid.u32  }
0x62: {  	s1 =	rddreg [dreg:$0x1];
	p0 =	sne.s32 s2, $0x0  }
0x63: {  	s3 =	rddreg [dreg:$0x2];
	[bflag:$0x3] =	sbarrier.arrive $0xFFFF;
	s2 =	simm.s32 @!p0 $0x1C03  }
0x64: {  	[timem:s3], [sflag:s2] =	dma.local @!p0 [hbm:s0], s1  }
0x65: {  	s0 =	simm.s32 @!p0 $0x3  }
0x66: {  	_ =	swait.ge @!p0 [sflag:s0], s1  }
0x67: {  	s1 =	ssub.s32 @!p0 $0x0, s1;
	[sflag:s0] =	ssyncset.done @!p0 $0x0  }
0x68: {  	[sflag:s0] =	ssyncadd.s32 @!p0 s1  }
0x69: {  	[bflag:$0x3] =	sbarrier.arrive $0xFFFF  }
0x6a: {  	_ =	shalt  }

</sc_bundles>
